<compile_context>
chip_gen: v7x
topology: tpu7x:2x2x1
jax: 0.10.2.dev20260603
libtpu: 0.0.44.dev20260713+nightly
codegen_flags: <defaults>
</compile_context>

<pallas_src>
import functools

import jax
import jax.numpy as jnp
from jax import lax
from jax.experimental import pallas as pl
from jax.experimental.pallas import tpu as pltpu
from jax.experimental.pallas import tpu_sc as plsc

_K = 64
_ROWS = 256
_ROWB = 8


def _encode_body(x_ref, we_ref, be_ref, pre_ref):
    pre_ref[...] = jax.lax.dot_general(
        x_ref[...], we_ref[...], (((1,), (1,)), ((), ())),
        preferred_element_type=jnp.float32) + be_ref[...]


def _decode_body(pre_ref, thr_ref, wd_ref, bd_ref, sp_ref, rec_ref):
    pre = pre_ref[...]
    s = jax.lax.bitcast_convert_type(pre, jnp.int32)
    ks = jnp.where(s >= 0, s, s ^ jnp.int32(0x7FFFFFFF))
    sp = jnp.where(ks >= thr_ref[...], pre, 0.0)
    sp_ref[...] = sp
    rec_ref[...] = jax.lax.dot_general(
        sp, wd_ref[...], (((1,), (1,)), ((), ())),
        preferred_element_type=jnp.float32) + bd_ref[...]


def _sc_thresholds(pre, n, f):
    info = plsc.get_sparse_core_info()
    nw = info.num_cores * info.num_subcores
    lanes_n = info.num_lanes
    rows_w = n // nw
    nblk = rows_w // _ROWB
    nvec = f // lanes_n

    mesh = plsc.VectorSubcoreMesh(core_axis_name="c", subcore_axis_name="s")

    @functools.partial(
        pl.kernel, mesh=mesh,
        out_type=jax.ShapeDtypeStruct((n * 16,), jnp.int32),
        scratch_types=[
            pltpu.VMEM((_ROWB * f,), jnp.int32),
            pltpu.VMEM((16 * 256,), jnp.int32),
            pltpu.VMEM((256,), jnp.int32),
            pltpu.VMEM((f + 3 * 16,), jnp.int32),
            pltpu.VMEM((_ROWB * 16,), jnp.int32),
            pltpu.SemaphoreType.DMA,
        ],
        compiler_params=pltpu.CompilerParams(use_tc_tiling_on_sc=False,
                                             needs_layout_passes=False),
    )
    def sck(pre_hbm, thr_hbm, rowbuf, hist, totals, candbuf, thrbuf, sem):
        wid = lax.axis_index("s") * info.num_cores + lax.axis_index("c")
        lanes = lax.iota(jnp.int32, lanes_n)
        zeros_v = jnp.zeros((lanes_n,), jnp.int32)
        ones_v = jnp.ones((lanes_n,), jnp.int32)

        def zinit(i, _):
            hist[pl.ds(i * 16, 16)] = zeros_v
            return 0
        lax.fori_loop(0, 256, zinit, 0)

        def block_body(b, _):
            r0 = (wid * nblk + b) * _ROWB
            pltpu.sync_copy(pre_hbm.at[pl.ds(r0 * f, _ROWB * f)], rowbuf)

            def row_body(r, _):
                rbase = r * f

                def key_at(j):
                    s = rowbuf[pl.ds(rbase + j * lanes_n, lanes_n)]
                    return s ^ ((s >> 31) & jnp.int32(0x7FFFFFFF))

                def h_body(j, _):
                    key = key_at(j)
                    idx = ((key >> 24) + 128) * 16 + lanes
                    cur = plsc.load_gather(hist, [idx])
                    plsc.store_scatter(hist, [idx], cur + 1)
                    return 0
                lax.fori_loop(0, nvec, h_body, 0)

                def t_body(c, _):
                    def l_body(l, acc):
                        return acc + hist[pl.ds(c * 256 + l * 16, 16)]
                    acc = lax.fori_loop(0, 16, l_body, zeros_v)
                    totals[pl.ds(c * 16, 16)] = acc
                    return 0
                lax.fori_loop(0, 16, t_body, 0)

                csums = [jnp.sum(totals[pl.ds(c * 16, 16)])
                         for c in range(16)]
                acc = jnp.int32(0)
                cstar = jnp.int32(0)
                cabove = jnp.int32(0)
                for c in range(15, -1, -1):
                    hit = (acc < _K) & (acc + csums[c] >= _K)
                    cstar = jnp.where(hit, c, cstar)
                    cabove = jnp.where(hit, acc, cabove)
                    acc = acc + csums[c]

                v = totals[pl.ds(cstar * 16, 16)]
                sfx = jnp.flip(jnp.cumsum(jnp.flip(v))) + cabove
                gemask = (sfx >= _K).astype(jnp.int32)
                lstar = jnp.sum(gemask) - 1
                c1 = cabove + jnp.sum(jnp.where(lanes > lstar, v, 0))
                k2 = _K - c1
                b1 = cstar * 16 + lstar

                def c_body(j, offv):
                    key = key_at(j)
                    bucket = (key >> 24) + 128
                    m = bucket == b1
                    mi = m.astype(jnp.int32)
                    pos = offv + jnp.cumsum(mi) - mi
                    plsc.store_scatter(candbuf, [pos], key, mask=m)
                    plsc.store_scatter(hist, [bucket * 16 + lanes], zeros_v)
                    return offv + plsc.all_reduce_population_count(m)
                offv = lax.fori_loop(0, nvec, c_body, zeros_v)

                pad = jnp.full((lanes_n,), -(2**31), jnp.int32)
                for p in range(3):
                    plsc.store_scatter(candbuf, [offv + p * lanes_n + lanes],
                                       pad)
                m_cnt = jnp.sum(offv) >> 4
                nv = (m_cnt + 2 * lanes_n - 1) // lanes_n

                base = (b1 - 128) << 24
                cand = base
                for bit in range(23, -1, -1):
                    t = cand + jnp.int32(1 << bit)

                    def bis_body(vi, accv):
                        x = candbuf[pl.ds(vi * 16, 16)]
                        return accv + (x >= t).astype(jnp.int32)
                    accv = lax.fori_loop(0, nv, bis_body, zeros_v)
                    cand = jnp.where(jnp.sum(accv) >= k2, t, cand)

                thrbuf[pl.ds(r * 16, 16)] = zeros_v + cand
                return 0
            lax.fori_loop(0, _ROWB, row_body, 0)
            pltpu.sync_copy(thrbuf, thr_hbm.at[pl.ds(r0 * 16, _ROWB * 16)])
            return 0
        lax.fori_loop(0, nblk, block_body, 0)

    return sck(jax.lax.bitcast_convert_type(pre, jnp.int32).reshape(-1))


def kernel(x, W_enc, b_enc, W_dec, b_dec):
    n, d = x.shape
    f = W_enc.shape[0]
    r = _ROWS if n % _ROWS == 0 else n
    g = n // r

    pre_acts = pl.pallas_call(
        _encode_body,
        grid=(g,),
        in_specs=[
            pl.BlockSpec((r, d), lambda i: (i, 0)),
            pl.BlockSpec((f, d), lambda i: (0, 0)),
            pl.BlockSpec((1, f), lambda i: (0, 0)),
        ],
        out_specs=pl.BlockSpec((r, f), lambda i: (i, 0)),
        out_shape=jax.ShapeDtypeStruct((n, f), jnp.float32),
        compiler_params=pltpu.CompilerParams(
            dimension_semantics=("arbitrary",),
        ),
    )(x, W_enc, b_enc.reshape(1, f))

    thr = _sc_thresholds(pre_acts, n, f).reshape(n, 16)[:, :1]

    sparse_acts, reconstruction = pl.pallas_call(
        _decode_body,
        grid=(g,),
        in_specs=[
            pl.BlockSpec((r, f), lambda i: (i, 0)),
            pl.BlockSpec((r, 1), lambda i: (i, 0)),
            pl.BlockSpec((d, f), lambda i: (0, 0)),
            pl.BlockSpec((1, d), lambda i: (0, 0)),
        ],
        out_specs=[
            pl.BlockSpec((r, f), lambda i: (i, 0)),
            pl.BlockSpec((r, d), lambda i: (i, 0)),
        ],
        out_shape=[
            jax.ShapeDtypeStruct((n, f), jnp.float32),
            jax.ShapeDtypeStruct((n, d), jnp.float32),
        ],
        compiler_params=pltpu.CompilerParams(
            dimension_semantics=("arbitrary",),
        ),
    )(pre_acts, thr, W_dec, b_dec.reshape(1, d))
    return (reconstruction, sparse_acts, pre_acts)

# --- scband reference (transcript-rebuilt; emitter-appended) ---
"""Pipeline reference for scband-lla-dasae-6811818131922 (READ-ONLY COPY).

The authoritative reference and input builder live on the scoring server;
editing this copy changes nothing except your own understanding.
"""

import jax, jax.numpy as jnp
import numpy as np

D = 768
F = 3072
K = 64
N = 32768

def setup_inputs(seed: int = 0) -> dict:
    key = jax.random.key(seed)
    k1, k2, k3 = jax.random.split(key, 3)
    x = jax.random.normal(k1, (N, D), dtype=jnp.float32)
    # Xavier/Glorot uniform init, matching nn.init.xavier_uniform_
    lim = float(np.sqrt(6.0 / (D + F)))
    W_enc = jax.random.uniform(k2, (F, D), dtype=jnp.float32, minval=-lim, maxval=lim)
    b_enc = jnp.zeros((F,), dtype=jnp.float32)
    W_dec = jax.random.uniform(k3, (D, F), dtype=jnp.float32, minval=-lim, maxval=lim)
    b_dec = jnp.zeros((D,), dtype=jnp.float32)
    return {"x": x, "W_enc": W_enc, "b_enc": b_enc, "W_dec": W_dec, "b_dec": b_dec}

def reference(x, W_enc, b_enc, W_dec, b_dec):
    # normalize_activations=False -> x_norm = x
    # encoder: z = x @ W_enc^T + b_enc   (nn.Linear convention: weight (F, D))
    pre_acts = x @ W_enc.T + b_enc
    # k-sparse: keep top-K per token along feature dim, zero the rest
    topk_vals, topk_idx = jax.lax.top_k(pre_acts, K)
    rows = jnp.arange(pre_acts.shape[0])[:, None]
    sparse_acts = jnp.zeros_like(pre_acts).at[rows, topk_idx].set(topk_vals)
    # decoder: x_hat = a @ W_dec^T + b_dec   (nn.Linear weight (D, F))
    reconstruction = sparse_acts @ W_dec.T + b_dec
    return (reconstruction, sparse_acts, pre_acts)

if __name__ == "__main__":
    import jax
    _d = setup_inputs()
    print(jax.jit(kernel)(*tuple(_d.values())))

</pallas_src>

<mosaic_0001>
#map = affine_map<(d0, d1) -> (0)>
module attributes {stable_mosaic.version = 14 : i64} {
  func.func @sck(%arg0: i32, %arg1: i32, %arg2: memref<100663296xi32, #tpu.memory_space<hbm>>, %arg3: memref<524288xi32, #tpu.memory_space<hbm>>, %arg4: memref<24576xi32, #tpu.memory_space<vmem>>, %arg5: memref<4096xi32, #tpu.memory_space<vmem>>, %arg6: memref<256xi32, #tpu.memory_space<vmem>>, %arg7: memref<3120xi32, #tpu.memory_space<vmem>>, %arg8: memref<128xi32, #tpu.memory_space<vmem>>, %arg9: memref<!tpu.dma_semaphore, #tpu.memory_space<semaphore_mem>>) attributes {dimension_semantics = [#tpu.dimension_semantics<core_parallel>, #tpu.dimension_semantics<subcore_parallel>], iteration_bounds = array<i64: 2, 16>, scalar_prefetch = 0 : i64, scratch_operands = 6 : i64, tpu.core_type = #tpu.core_type<sc_vector_subcore>, window_params = [{transform_indices = #map}, {transform_indices = #map}]} {
    %mul3A = arith.constant 2 : i32
    %mul3A_0 = arith.muli %arg1, %mul3A : i32
    %add3A = arith.addi %mul3A_0, %arg0 : i32
    %iota3A = tpu.iota {dimensions = array<i32: 0>} : vector<16xi32>
    %broadcast_in_dim3A = arith.constant 0 : i32
    %broadcast_in_dim3A_1 = vector.broadcast %broadcast_in_dim3A : i32 to vector<16xi32>
    %broadcast_in_dim3A_2 = arith.constant 1 : i32
    %broadcast_in_dim3A_3 = vector.broadcast %broadcast_in_dim3A_2 : i32 to vector<16xi32>
    %scan3A = arith.constant 0 : i32
    %scan3A_4 = arith.constant 0 : i32
    %scan3A_5 = arith.constant 256 : i32
    %scan3A_6 = arith.addi %scan3A_4, %scan3A_5 : i32
    %scan3A_7 = arith.constant 1 : i32
    %scan3A_8 = scf.for %scan3A_17 = %scan3A_4 to %scan3A_6 step %scan3A_7 iter_args(%scan3A_18 = %scan3A) -> (i32)  : i32 {
      %mul3A_19 = arith.constant 16 : i32
      %mul3A_20 = arith.muli %scan3A_17, %mul3A_19 : i32
      %swap3A = arith.index_cast %mul3A_20 : i32 to index
      %swap3A_21 = tpu.vector_load %arg5[%swap3A] {strides = array<i32>} : memref<4096xi32, #tpu.memory_space<vmem>>, vector<16xi32>,
      tpu.vector_store %arg5[%swap3A], %broadcast_in_dim3A_1 {strides = array<i32>} : memref<4096xi32, #tpu.memory_space<vmem>>, vector<16xi32>,
      %scan3A_22 = arith.constant 0 : i32
      scf.yield %scan3A_22 : i32
    }
    %scan3A_9 = arith.constant 256 : i32
    %scan3A_10 = arith.constant 0 : i32
    %scan3A_11 = arith.constant 0 : i32
    %scan3A_12 = arith.constant 128 : i32
    %scan3A_13 = arith.addi %scan3A_11, %scan3A_12 : i32
    %scan3A_14 = arith.constant 1 : i32
    %scan3A_15 = scf.for %scan3A_17 = %scan3A_11 to %scan3A_13 step %scan3A_14 iter_args(%scan3A_18 = %scan3A_10) -> (i32)  : i32 {
      %mul3A_19 = arith.constant 128 : i32
      %mul3A_20 = arith.muli %add3A, %mul3A_19 : i32
      %add3A_21 = arith.addi %mul3A_20, %scan3A_17 : i32
      %mul3A_22 = arith.constant 8 : i32
      %mul3A_23 = arith.muli %add3A_21, %mul3A_22 : i32
      %mul3A_24 = arith.constant 3072 : i32
      %mul3A_25 = arith.muli %mul3A_23, %mul3A_24 : i32
      "tpu.region"() ({
        %run_scoped3A = tpu.sem_alloc : memref<!tpu.dma_semaphore, #tpu.memory_space<semaphore_mem>>
        %dma_start3A = tpu.memref_slice %arg2[%mul3A_25] : memref<100663296xi32, #tpu.memory_space<hbm>> -> memref<24576xi32, #tpu.memory_space<hbm>>
        %dma_start3A_36 = tpu.memref_slice %arg2[%mul3A_25] : memref<100663296xi32, #tpu.memory_space<hbm>> -> memref<24576xi32, #tpu.memory_space<hbm>>
        tpu.enqueue_dma source(%dma_start3A_36 : memref<24576xi32, #tpu.memory_space<hbm>>) target(%arg4 : memref<24576xi32, #tpu.memory_space<vmem>>) target_semaphore(%run_scoped3A : memref<!tpu.dma_semaphore, #tpu.memory_space<semaphore_mem>>)
        %dma_wait3A = tpu.memref_slice %arg2[%mul3A_25] : memref<100663296xi32, #tpu.memory_space<hbm>> -> memref<24576xi32, #tpu.memory_space<hbm>>
        %dma_wait3A_37 = tpu.memref_slice %arg2[%mul3A_25] : memref<100663296xi32, #tpu.memory_space<hbm>> -> memref<24576xi32, #tpu.memory_space<hbm>>
        tpu.wait_dma2 semaphore(%run_scoped3A : memref<!tpu.dma_semaphore, #tpu.memory_space<semaphore_mem>>) src(%dma_wait3A_37 : memref<24576xi32, #tpu.memory_space<hbm>>) dst(%arg4 : memref<24576xi32, #tpu.memory_space<vmem>>)
        tpu.yield
      }) : () -> ()
      %scan3A_26 = arith.constant 0 : i32
      %scan3A_27 = arith.constant 0 : i32
      %scan3A_28 = arith.constant 8 : i32
      %scan3A_29 = arith.addi %scan3A_27, %scan3A_28 : i32
      %scan3A_30 = arith.constant 1 : i32
      %scan3A_31 = scf.for %scan3A_36 = %scan3A_27 to %scan3A_29 step %scan3A_30 iter_args(%scan3A_37 = %scan3A_26) -> (i32)  : i32 {
        %mul3A_38 = arith.constant 3072 : i32
        %mul3A_39 = arith.muli %scan3A_36, %mul3A_38 : i32
        %scan3A_40 = arith.constant 0 : i32
        %scan3A_41 = arith.constant 0 : i32
        %scan3A_42 = arith.constant 192 : i32
        %scan3A_43 = arith.addi %scan3A_41, %scan3A_42 : i32
        %scan3A_44 = arith.constant 1 : i32
        %scan3A_45 = scf.for %scan3A_861 = %scan3A_41 to %scan3A_43 step %scan3A_44 iter_args(%scan3A_862 = %scan3A_40) -> (i32)  : i32 {
          %mul3A_863 = arith.constant 16 : i32
          %mul3A_864 = arith.muli %scan3A_861, %mul3A_863 : i32
          %add3A_865 = arith.addi %mul3A_39, %mul3A_864 : i32
          %get3A_866 = arith.index_cast %add3A_865 : i32 to index
          %get3A_867 = tpu.vector_load %arg4[%get3A_866] {strides = array<i32>} : memref<24576xi32, #tpu.memory_space<vmem>>, vector<16xi32>,
          %shift_right_arithmetic3A_868 = arith.constant 31 : i32
          %shift_right_arithmetic3A_869 = vector.broadcast %shift_right_arithmetic3A_868 : i32 to vector<16xi32>
          %shift_right_arithmetic3A_870 = arith.shrsi %get3A_867, %shift_right_arithmetic3A_869 : vector<16xi32>
          %and3A_871 = arith.constant 2147483647 : i32
          %and3A_872 = vector.broadcast %and3A_871 : i32 to vector<16xi32>
          %and3A_873 = arith.andi %shift_right_arithmetic3A_870, %and3A_872 : vector<16xi32>
          %xor3A = arith.xori %get3A_867, %and3A_873 : vector<16xi32>
          %shift_right_arithmetic3A_874 = arith.constant 24 : i32
          %shift_right_arithmetic3A_875 = vector.broadcast %shift_right_arithmetic3A_874 : i32 to vector<16xi32>
          %shift_right_arithmetic3A_876 = arith.shrsi %xor3A, %shift_right_arithmetic3A_875 : vector<16xi32>
          %add3A_877 = arith.constant 128 : i32
          %add3A_878 = vector.broadcast %add3A_877 : i32 to vector<16xi32>
          %add3A_879 = arith.addi %shift_right_arithmetic3A_876, %add3A_878 : vector<16xi32>
          %mul3A_880 = arith.constant 16 : i32
          %mul3A_881 = vector.broadcast %mul3A_880 : i32 to vector<16xi32>
          %mul3A_882 = arith.muli %add3A_879, %mul3A_881 : vector<16xi32>
          %add3A_883 = arith.addi %mul3A_882, %iota3A : vector<16xi32>
          %gather3A = tpu.vector_load_idx %arg5[%add3A_883] : memref<4096xi32, #tpu.memory_space<vmem>>[vector<16xi32>], vector<16xi32>,
          %add3A_884 = arith.constant 1 : i32
          %add3A_885 = vector.broadcast %add3A_884 : i32 to vector<16xi32>
          %add3A_886 = arith.addi %gather3A, %add3A_885 : vector<16xi32>
          tpu.vector_store_idx %arg5[%add3A_883], %add3A_886 : memref<4096xi32, #tpu.memory_space<vmem>>[vector<16xi32>], vector<16xi32>,
          %scan3A_887 = arith.constant 0 : i32
          scf.yield %scan3A_887 : i32
        }
        %scan3A_46 = arith.constant 192 : i32
        %scan3A_47 = arith.constant 0 : i32
        %scan3A_48 = arith.constant 0 : i32
        %scan3A_49 = arith.constant 16 : i32
        %scan3A_50 = arith.addi %scan3A_48, %scan3A_49 : i32
        %scan3A_51 = arith.constant 1 : i32
        %scan3A_52 = scf.for %scan3A_861 = %scan3A_48 to %scan3A_50 step %scan3A_51 iter_args(%scan3A_862 = %scan3A_47) -> (i32)  : i32 {
          %scan3A_863 = arith.constant 0 : i32
          %scan3A_864 = arith.constant 16 : i32
          %scan3A_865 = arith.addi %scan3A_863, %scan3A_864 : i32
          %scan3A_866 = arith.constant 1 : i32
          %scan3A_867 = scf.for %scan3A_874 = %scan3A_863 to %scan3A_865 step %scan3A_866 iter_args(%scan3A_875 = %broadcast_in_dim3A_1) -> (vector<16xi32>)  : i32 {
            %mul3A_876 = arith.constant 256 : i32
            %mul3A_877 = arith.muli %scan3A_861, %mul3A_876 : i32
            %mul3A_878 = arith.constant 16 : i32
            %mul3A_879 = arith.muli %scan3A_874, %mul3A_878 : i32
            %add3A_880 = arith.addi %mul3A_877, %mul3A_879 : i32
            %get3A_881 = arith.index_cast %add3A_880 : i32 to index
            %get3A_882 = tpu.vector_load %arg5[%get3A_881] {strides = array<i32>} : memref<4096xi32, #tpu.memory_space<vmem>>, vector<16xi32>,
            %add3A_883 = arith.addi %scan3A_875, %get3A_882 : vector<16xi32>
            scf.yield %add3A_883 : vector<16xi32>
          }
          %scan3A_868 = arith.constant 16 : i32
          %mul3A_869 = arith.constant 16 : i32
          %mul3A_870 = arith.muli %scan3A_861, %mul3A_869 : i32
          %swap3A_871 = arith.index_cast %mul3A_870 : i32 to index
          %swap3A_872 = tpu.vector_load %arg6[%swap3A_871] {strides = array<i32>} : memref<256xi32, #tpu.memory_space<vmem>>, vector<16xi32>,
          tpu.vector_store %arg6[%swap3A_871], %scan3A_867 {strides = array<i32>} : memref<256xi32, #tpu.memory_space<vmem>>, vector<16xi32>,
          %scan3A_873 = arith.constant 0 : i32
          scf.yield %scan3A_873 : i32
        }
        %scan3A_53 = arith.constant 16 : i32
        %get3A = arith.constant 0 : index
        %get3A_54 = tpu.vector_load %arg6[%get3A] {strides = array<i32>} : memref<256xi32, #tpu.memory_space<vmem>>, vector<16xi32>,
        %reduce_sum3A = arith.constant true
        %reduce_sum3A_55 = vector.broadcast %reduce_sum3A : i1 to vector<16xi1>
        %reduce_sum3A_56 = tpu.scan <sum>, %get3A_54 masked %reduce_sum3A_55 : vector<16xi32>, vector<16xi1> -> vector<16xi32>
        %reduce_sum3A_57 = vector.extract %reduce_sum3A_56[15] : i32 from vector<16xi32>
        %get3A_58 = arith.constant 16 : index
        %get3A_59 = tpu.vector_load %arg6[%get3A_58] {strides = array<i32>} : memref<256xi32, #tpu.memory_space<vmem>>, vector<16xi32>,
        %reduce_sum3A_60 = arith.constant true
        %reduce_sum3A_61 = vector.broadcast %reduce_sum3A_60 : i1 to vector<16xi1>
        %reduce_sum3A_62 = tpu.scan <sum>, %get3A_59 masked %reduce_sum3A_61 : vector<16xi32>, vector<16xi1> -> vector<16xi32>
        %reduce_sum3A_63 = vector.extract %reduce_sum3A_62[15] : i32 from vector<16xi32>
        %get3A_64 = arith.constant 32 : index
        %get3A_65 = tpu.vector_load %arg6[%get3A_64] {strides = array<i32>} : memref<256xi32, #tpu.memory_space<vmem>>, vector<16xi32>,
        %reduce_sum3A_66 = arith.constant true
        %reduce_sum3A_67 = vector.broadcast %reduce_sum3A_66 : i1 to vector<16xi1>
        %reduce_sum3A_68 = tpu.scan <sum>, %get3A_65 masked %reduce_sum3A_67 : vector<16xi32>, vector<16xi1> -> vector<16xi32>
        %reduce_sum3A_69 = vector.extract %reduce_sum3A_68[15] : i32 from vector<16xi32>
        %get3A_70 = arith.constant 48 : index
        %get3A_71 = tpu.vector_load %arg6[%get3A_70] {strides = array<i32>} : memref<256xi32, #tpu.memory_space<vmem>>, vector<16xi32>,
        %reduce_sum3A_72 = arith.constant true
        %reduce_sum3A_73 = vector.broadcast %reduce_sum3A_72 : i1 to vector<16xi1>
        %reduce_sum3A_74 = tpu.scan <sum>, %get3A_71 masked %reduce_sum3A_73 : vector<16xi32>, vector<16xi1> -> vector<16xi32>
        %reduce_sum3A_75 = vector.extract %reduce_sum3A_74[15] : i32 from vector<16xi32>
        %get3A_76 = arith.constant 64 : index
        %get3A_77 = tpu.vector_load %arg6[%get3A_76] {strides = array<i32>} : memref<256xi32, #tpu.memory_space<vmem>>, vector<16xi32>,
        %reduce_sum3A_78 = arith.constant true
        %reduce_sum3A_79 = vector.broadcast %reduce_sum3A_78 : i1 to vector<16xi1>
        %reduce_sum3A_80 = tpu.scan <sum>, %get3A_77 masked %reduce_sum3A_79 : vector<16xi32>, vector<16xi1> -> vector<16xi32>
        %reduce_sum3A_81 = vector.extract %reduce_sum3A_80[15] : i32 from vector<16xi32>
        %get3A_82 = arith.constant 80 : index
        %get3A_83 = tpu.vector_load %arg6[%get3A_82] {strides = array<i32>} : memref<256xi32, #tpu.memory_space<vmem>>, vector<16xi32>,
        %reduce_sum3A_84 = arith.constant true
        %reduce_sum3A_85 = vector.broadcast %reduce_sum3A_84 : i1 to vector<16xi1>
        %reduce_sum3A_86 = tpu.scan <sum>, %get3A_83 masked %reduce_sum3A_85 : vector<16xi32>, vector<16xi1> -> vector<16xi32>
        %reduce_sum3A_87 = vector.extract %reduce_sum3A_86[15] : i32 from vector<16xi32>
        %get3A_88 = arith.constant 96 : index
        %get3A_89 = tpu.vector_load %arg6[%get3A_88] {strides = array<i32>} : memref<256xi32, #tpu.memory_space<vmem>>, vector<16xi32>,
        %reduce_sum3A_90 = arith.constant true
        %reduce_sum3A_91 = vector.broadcast %reduce_sum3A_90 : i1 to vector<16xi1>
        %reduce_sum3A_92 = tpu.scan <sum>, %get3A_89 masked %reduce_sum3A_91 : vector<16xi32>, vector<16xi1> -> vector<16xi32>
        %reduce_sum3A_93 = vector.extract %reduce_sum3A_92[15] : i32 from vector<16xi32>
        %get3A_94 = arith.constant 112 : index
        %get3A_95 = tpu.vector_load %arg6[%get3A_94] {strides = array<i32>} : memref<256xi32, #tpu.memory_space<vmem>>, vector<16xi32>,
        %reduce_sum3A_96 = arith.constant true
        %reduce_sum3A_97 = vector.broadcast %reduce_sum3A_96 : i1 to vector<16xi1>
        %reduce_sum3A_98 = tpu.scan <sum>, %get3A_95 masked %reduce_sum3A_97 : vector<16xi32>, vector<16xi1> -> vector<16xi32>
        %reduce_sum3A_99 = vector.extract %reduce_sum3A_98[15] : i32 from vector<16xi32>
        %get3A_100 = arith.constant 128 : index
        %get3A_101 = tpu.vector_load %arg6[%get3A_100] {strides = array<i32>} : memref<256xi32, #tpu.memory_space<vmem>>, vector<16xi32>,
        %reduce_sum3A_102 = arith.constant true
        %reduce_sum3A_103 = vector.broadcast %reduce_sum3A_102 : i1 to vector<16xi1>
        %reduce_sum3A_104 = tpu.scan <sum>, %get3A_101 masked %reduce_sum3A_103 : vector<16xi32>, vector<16xi1> -> vector<16xi32>
        %reduce_sum3A_105 = vector.extract %reduce_sum3A_104[15] : i32 from vector<16xi32>
        %get3A_106 = arith.constant 144 : index
        %get3A_107 = tpu.vector_load %arg6[%get3A_106] {strides = array<i32>} : memref<256xi32, #tpu.memory_space<vmem>>, vector<16xi32>,
        %reduce_sum3A_108 = arith.constant true
        %reduce_sum3A_109 = vector.broadcast %reduce_sum3A_108 : i1 to vector<16xi1>
        %reduce_sum3A_110 = tpu.scan <sum>, %get3A_107 masked %reduce_sum3A_109 : vector<16xi32>, vector<16xi1> -> vector<16xi32>
        %reduce_sum3A_111 = vector.extract %reduce_sum3A_110[15] : i32 from vector<16xi32>
        %get3A_112 = arith.constant 160 : index
        %get3A_113 = tpu.vector_load %arg6[%get3A_112] {strides = array<i32>} : memref<256xi32, #tpu.memory_space<vmem>>, vector<16xi32>,
        %reduce_sum3A_114 = arith.constant true
        %reduce_sum3A_115 = vector.broadcast %reduce_sum3A_114 : i1 to vector<16xi1>
        %reduce_sum3A_116 = tpu.scan <sum>, %get3A_113 masked %reduce_sum3A_115 : vector<16xi32>, vector<16xi1> -> vector<16xi32>
        %reduce_sum3A_117 = vector.extract %reduce_sum3A_116[15] : i32 from vector<16xi32>
        %get3A_118 = arith.constant 176 : index
        %get3A_119 = tpu.vector_load %arg6[%get3A_118] {strides = array<i32>} : memref<256xi32, #tpu.memory_space<vmem>>, vector<16xi32>,
        %reduce_sum3A_120 = arith.constant true
        %reduce_sum3A_121 = vector.broadcast %reduce_sum3A_120 : i1 to vector<16xi1>
        %reduce_sum3A_122 = tpu.scan <sum>, %get3A_119 masked %reduce_sum3A_121 : vector<16xi32>, vector<16xi1> -> vector<16xi32>
        %reduce_sum3A_123 = vector.extract %reduce_sum3A_122[15] : i32 from vector<16xi32>
        %get3A_124 = arith.constant 192 : index
        %get3A_125 = tpu.vector_load %arg6[%get3A_124] {strides = array<i32>} : memref<256xi32, #tpu.memory_space<vmem>>, vector<16xi32>,
        %reduce_sum3A_126 = arith.constant true
        %reduce_sum3A_127 = vector.broadcast %reduce_sum3A_126 : i1 to vector<16xi1>
        %reduce_sum3A_128 = tpu.scan <sum>, %get3A_125 masked %reduce_sum3A_127 : vector<16xi32>, vector<16xi1> -> vector<16xi32>
        %reduce_sum3A_129 = vector.extract %reduce_sum3A_128[15] : i32 from vector<16xi32>
        %get3A_130 = arith.constant 208 : index
        %get3A_131 = tpu.vector_load %arg6[%get3A_130] {strides = array<i32>} : memref<256xi32, #tpu.memory_space<vmem>>, vector<16xi32>,
        %reduce_sum3A_132 = arith.constant true
        %reduce_sum3A_133 = vector.broadcast %reduce_sum3A_132 : i1 to vector<16xi1>
        %reduce_sum3A_134 = tpu.scan <sum>, %get3A_131 masked %reduce_sum3A_133 : vector<16xi32>, vector<16xi1> -> vector<16xi32>
        %reduce_sum3A_135 = vector.extract %reduce_sum3A_134[15] : i32 from vector<16xi32>
        %get3A_136 = arith.constant 224 : index
        %get3A_137 = tpu.vector_load %arg6[%get3A_136] {strides = array<i32>} : memref<256xi32, #tpu.memory_space<vmem>>, vector<16xi32>,
        %reduce_sum3A_138 = arith.constant true
        %reduce_sum3A_139 = vector.broadcast %reduce_sum3A_138 : i1 to vector<16xi1>
        %reduce_sum3A_140 = tpu.scan <sum>, %get3A_137 masked %reduce_sum3A_139 : vector<16xi32>, vector<16xi1> -> vector<16xi32>
        %reduce_sum3A_141 = vector.extract %reduce_sum3A_140[15] : i32 from vector<16xi32>
        %get3A_142 = arith.constant 240 : index
        %get3A_143 = tpu.vector_load %arg6[%get3A_142] {strides = array<i32>} : memref<256xi32, #tpu.memory_space<vmem>>, vector<16xi32>,
        %reduce_sum3A_144 = arith.constant true
        %reduce_sum3A_145 = vector.broadcast %reduce_sum3A_144 : i1 to vector<16xi1>
        %reduce_sum3A_146 = tpu.scan <sum>, %get3A_143 masked %reduce_sum3A_145 : vector<16xi32>, vector<16xi1> -> vector<16xi32>
        %reduce_sum3A_147 = vector.extract %reduce_sum3A_146[15] : i32 from vector<16xi32>
        %lt3A = arith.constant 0 : i32
        %lt3A_148 = arith.constant 64 : i32
        %lt3A_149 = arith.cmpi slt, %lt3A, %lt3A_148 : i32
        %add3A_150 = arith.constant 0 : i32
        %add3A_151 = arith.addi %add3A_150, %reduce_sum3A_147 : i32
        %ge3A = arith.constant 64 : i32
        %ge3A_152 = arith.cmpi sge, %add3A_151, %ge3A : i32
        %and3A = arith.andi %lt3A_149, %ge3A_152 : i1
        %jit3A = arith.constant 15 : i32
        %jit3A_153 = arith.constant 0 : i32
        %select_n3A = arith.select %and3A, %jit3A, %jit3A_153 : i32
        %jit3A_154 = arith.constant 0 : i32
        %jit3A_155 = arith.constant 0 : i32
        %select_n3A_156 = arith.select %and3A, %jit3A_154, %jit3A_155 : i32
        %add3A_157 = arith.constant 0 : i32
        %add3A_158 = arith.addi %add3A_157, %reduce_sum3A_147 : i32
        %lt3A_159 = arith.constant 64 : i32
        %lt3A_160 = arith.cmpi slt, %add3A_158, %lt3A_159 : i32
        %add3A_161 = arith.addi %add3A_158, %reduce_sum3A_141 : i32
        %ge3A_162 = arith.constant 64 : i32
        %ge3A_163 = arith.cmpi sge, %add3A_161, %ge3A_162 : i32
        %and3A_164 = arith.andi %lt3A_160, %ge3A_163 : i1
        %jit3A_165 = arith.constant 14 : i32
        %select_n3A_166 = arith.select %and3A_164, %jit3A_165, %select_n3A : i32
        %select_n3A_167 = arith.select %and3A_164, %add3A_158, %select_n3A_156 : i32
        %add3A_168 = arith.addi %add3A_158, %reduce_sum3A_141 : i32
        %lt3A_169 = arith.constant 64 : i32
        %lt3A_170 = arith.cmpi slt, %add3A_168, %lt3A_169 : i32
        %add3A_171 = arith.addi %add3A_168, %reduce_sum3A_135 : i32
        %ge3A_172 = arith.constant 64 : i32
        %ge3A_173 = arith.cmpi sge, %add3A_171, %ge3A_172 : i32
        %and3A_174 = arith.andi %lt3A_170, %ge3A_173 : i1
        %jit3A_175 = arith.constant 13 : i32
        %select_n3A_176 = arith.select %and3A_174, %jit3A_175, %select_n3A_166 : i32
        %select_n3A_177 = arith.select %and3A_174, %add3A_168, %select_n3A_167 : i32
        %add3A_178 = arith.addi %add3A_168, %reduce_sum3A_135 : i32
        %lt3A_179 = arith.constant 64 : i32
        %lt3A_180 = arith.cmpi slt, %add3A_178, %lt3A_179 : i32
        %add3A_181 = arith.addi %add3A_178, %reduce_sum3A_129 : i32
        %ge3A_182 = arith.constant 64 : i32
        %ge3A_183 = arith.cmpi sge, %add3A_181, %ge3A_182 : i32
        %and3A_184 = arith.andi %lt3A_180, %ge3A_183 : i1
        %jit3A_185 = arith.constant 12 : i32
        %select_n3A_186 = arith.select %and3A_184, %jit3A_185, %select_n3A_176 : i32
        %select_n3A_187 = arith.select %and3A_184, %add3A_178, %select_n3A_177 : i32
        %add3A_188 = arith.addi %add3A_178, %reduce_sum3A_129 : i32
        %lt3A_189 = arith.constant 64 : i32
        %lt3A_190 = arith.cmpi slt, %add3A_188, %lt3A_189 : i32
        %add3A_191 = arith.addi %add3A_188, %reduce_sum3A_123 : i32
        %ge3A_192 = arith.constant 64 : i32
        %ge3A_193 = arith.cmpi sge, %add3A_191, %ge3A_192 : i32
        %and3A_194 = arith.andi %lt3A_190, %ge3A_193 : i1
        %jit3A_195 = arith.constant 11 : i32
        %select_n3A_196 = arith.select %and3A_194, %jit3A_195, %select_n3A_186 : i32
        %select_n3A_197 = arith.select %and3A_194, %add3A_188, %select_n3A_187 : i32
        %add3A_198 = arith.addi %add3A_188, %reduce_sum3A_123 : i32
        %lt3A_199 = arith.constant 64 : i32
        %lt3A_200 = arith.cmpi slt, %add3A_198, %lt3A_199 : i32
        %add3A_201 = arith.addi %add3A_198, %reduce_sum3A_117 : i32
        %ge3A_202 = arith.constant 64 : i32
        %ge3A_203 = arith.cmpi sge, %add3A_201, %ge3A_202 : i32
        %and3A_204 = arith.andi %lt3A_200, %ge3A_203 : i1
        %jit3A_205 = arith.constant 10 : i32
        %select_n3A_206 = arith.select %and3A_204, %jit3A_205, %select_n3A_196 : i32
        %select_n3A_207 = arith.select %and3A_204, %add3A_198, %select_n3A_197 : i32
        %add3A_208 = arith.addi %add3A_198, %reduce_sum3A_117 : i32
        %lt3A_209 = arith.constant 64 : i32
        %lt3A_210 = arith.cmpi slt, %add3A_208, %lt3A_209 : i32
        %add3A_211 = arith.addi %add3A_208, %reduce_sum3A_111 : i32
        %ge3A_212 = arith.constant 64 : i32
        %ge3A_213 = arith.cmpi sge, %add3A_211, %ge3A_212 : i32
        %and3A_214 = arith.andi %lt3A_210, %ge3A_213 : i1
        %jit3A_215 = arith.constant 9 : i32
        %select_n3A_216 = arith.select %and3A_214, %jit3A_215, %select_n3A_206 : i32
        %select_n3A_217 = arith.select %and3A_214, %add3A_208, %select_n3A_207 : i32
        %add3A_218 = arith.addi %add3A_208, %reduce_sum3A_111 : i32
        %lt3A_219 = arith.constant 64 : i32
        %lt3A_220 = arith.cmpi slt, %add3A_218, %lt3A_219 : i32
        %add3A_221 = arith.addi %add3A_218, %reduce_sum3A_105 : i32
        %ge3A_222 = arith.constant 64 : i32
        %ge3A_223 = arith.cmpi sge, %add3A_221, %ge3A_222 : i32
        %and3A_224 = arith.andi %lt3A_220, %ge3A_223 : i1
        %jit3A_225 = arith.constant 8 : i32
        %select_n3A_226 = arith.select %and3A_224, %jit3A_225, %select_n3A_216 : i32
        %select_n3A_227 = arith.select %and3A_224, %add3A_218, %select_n3A_217 : i32
        %add3A_228 = arith.addi %add3A_218, %reduce_sum3A_105 : i32
        %lt3A_229 = arith.constant 64 : i32
        %lt3A_230 = arith.cmpi slt, %add3A_228, %lt3A_229 : i32
        %add3A_231 = arith.addi %add3A_228, %reduce_sum3A_99 : i32
        %ge3A_232 = arith.constant 64 : i32
        %ge3A_233 = arith.cmpi sge, %add3A_231, %ge3A_232 : i32
        %and3A_234 = arith.andi %lt3A_230, %ge3A_233 : i1
        %jit3A_235 = arith.constant 7 : i32
        %select_n3A_236 = arith.select %and3A_234, %jit3A_235, %select_n3A_226 : i32
        %select_n3A_237 = arith.select %and3A_234, %add3A_228, %select_n3A_227 : i32
        %add3A_238 = arith.addi %add3A_228, %reduce_sum3A_99 : i32
        %lt3A_239 = arith.constant 64 : i32
        %lt3A_240 = arith.cmpi slt, %add3A_238, %lt3A_239 : i32
        %add3A_241 = arith.addi %add3A_238, %reduce_sum3A_93 : i32
        %ge3A_242 = arith.constant 64 : i32
        %ge3A_243 = arith.cmpi sge, %add3A_241, %ge3A_242 : i32
        %and3A_244 = arith.andi %lt3A_240, %ge3A_243 : i1
        %jit3A_245 = arith.constant 6 : i32
        %select_n3A_246 = arith.select %and3A_244, %jit3A_245, %select_n3A_236 : i32
        %select_n3A_247 = arith.select %and3A_244, %add3A_238, %select_n3A_237 : i32
        %add3A_248 = arith.addi %add3A_238, %reduce_sum3A_93 : i32
        %lt3A_249 = arith.constant 64 : i32
        %lt3A_250 = arith.cmpi slt, %add3A_248, %lt3A_249 : i32
        %add3A_251 = arith.addi %add3A_248, %reduce_sum3A_87 : i32
        %ge3A_252 = arith.constant 64 : i32
        %ge3A_253 = arith.cmpi sge, %add3A_251, %ge3A_252 : i32
        %and3A_254 = arith.andi %lt3A_250, %ge3A_253 : i1
        %jit3A_255 = arith.constant 5 : i32
        %select_n3A_256 = arith.select %and3A_254, %jit3A_255, %select_n3A_246 : i32
        %select_n3A_257 = arith.select %and3A_254, %add3A_248, %select_n3A_247 : i32
        %add3A_258 = arith.addi %add3A_248, %reduce_sum3A_87 : i32
        %lt3A_259 = arith.constant 64 : i32
        %lt3A_260 = arith.cmpi slt, %add3A_258, %lt3A_259 : i32
        %add3A_261 = arith.addi %add3A_258, %reduce_sum3A_81 : i32
        %ge3A_262 = arith.constant 64 : i32
        %ge3A_263 = arith.cmpi sge, %add3A_261, %ge3A_262 : i32
        %and3A_264 = arith.andi %lt3A_260, %ge3A_263 : i1
        %jit3A_265 = arith.constant 4 : i32
        %select_n3A_266 = arith.select %and3A_264, %jit3A_265, %select_n3A_256 : i32
        %select_n3A_267 = arith.select %and3A_264, %add3A_258, %select_n3A_257 : i32
        %add3A_268 = arith.addi %add3A_258, %reduce_sum3A_81 : i32
        %lt3A_269 = arith.constant 64 : i32
        %lt3A_270 = arith.cmpi slt, %add3A_268, %lt3A_269 : i32
        %add3A_271 = arith.addi %add3A_268, %reduce_sum3A_75 : i32
        %ge3A_272 = arith.constant 64 : i32
        %ge3A_273 = arith.cmpi sge, %add3A_271, %ge3A_272 : i32
        %and3A_274 = arith.andi %lt3A_270, %ge3A_273 : i1
        %jit3A_275 = arith.constant 3 : i32
        %select_n3A_276 = arith.select %and3A_274, %jit3A_275, %select_n3A_266 : i32
        %select_n3A_277 = arith.select %and3A_274, %add3A_268, %select_n3A_267 : i32
        %add3A_278 = arith.addi %add3A_268, %reduce_sum3A_75 : i32
        %lt3A_279 = arith.constant 64 : i32
        %lt3A_280 = arith.cmpi slt, %add3A_278, %lt3A_279 : i32
        %add3A_281 = arith.addi %add3A_278, %reduce_sum3A_69 : i32
        %ge3A_282 = arith.constant 64 : i32
        %ge3A_283 = arith.cmpi sge, %add3A_281, %ge3A_282 : i32
        %and3A_284 = arith.andi %lt3A_280, %ge3A_283 : i1
        %jit3A_285 = arith.constant 2 : i32
        %select_n3A_286 = arith.select %and3A_284, %jit3A_285, %select_n3A_276 : i32
        %select_n3A_287 = arith.select %and3A_284, %add3A_278, %select_n3A_277 : i32
        %add3A_288 = arith.addi %add3A_278, %reduce_sum3A_69 : i32
        %lt3A_289 = arith.constant 64 : i32
        %lt3A_290 = arith.cmpi slt, %add3A_288, %lt3A_289 : i32
        %add3A_291 = arith.addi %add3A_288, %reduce_sum3A_63 : i32
        %ge3A_292 = arith.constant 64 : i32
        %ge3A_293 = arith.cmpi sge, %add3A_291, %ge3A_292 : i32
        %and3A_294 = arith.andi %lt3A_290, %ge3A_293 : i1
        %jit3A_295 = arith.constant 1 : i32
        %select_n3A_296 = arith.select %and3A_294, %jit3A_295, %select_n3A_286 : i32
        %select_n3A_297 = arith.select %and3A_294, %add3A_288, %select_n3A_287 : i32
        %add3A_298 = arith.addi %add3A_288, %reduce_sum3A_63 : i32
        %lt3A_299 = arith.constant 64 : i32
        %lt3A_300 = arith.cmpi slt, %add3A_298, %lt3A_299 : i32
        %add3A_301 = arith.addi %add3A_298, %reduce_sum3A_57 : i32
        %ge3A_302 = arith.constant 64 : i32
        %ge3A_303 = arith.cmpi sge, %add3A_301, %ge3A_302 : i32
        %and3A_304 = arith.andi %lt3A_300, %ge3A_303 : i1
        %jit3A_305 = arith.constant 0 : i32
        %select_n3A_306 = arith.select %and3A_304, %jit3A_305, %select_n3A_296 : i32
        %select_n3A_307 = arith.select %and3A_304, %add3A_298, %select_n3A_297 : i32
        %add3A_308 = arith.addi %add3A_298, %reduce_sum3A_57 : i32
        %mul3A_309 = arith.constant 16 : i32
        %mul3A_310 = arith.muli %select_n3A_306, %mul3A_309 : i32
        %get3A_311 = arith.index_cast %mul3A_310 : i32 to index
        %get3A_312 = tpu.vector_load %arg6[%get3A_311] {strides = array<i32>} : memref<256xi32, #tpu.memory_space<vmem>>, vector<16xi32>,
        %rev3A = arith.constant 15 : i32
        %rev3A_313 = vector.broadcast %rev3A : i32 to vector<16xi32>
        %rev3A_314 = tpu.iota {dimensions = array<i32: 0>} : vector<16xi32>
        %rev3A_315 = arith.subi %rev3A_313, %rev3A_314 : vector<16xi32>
        %rev3A_316 = tpu.dynamic_gather %get3A_312[%rev3A_315] in [0] : vector<16xi32>, vector<16xi32> -> vector<16xi32>
        %cumsum3A = arith.constant true
        %cumsum3A_317 = vector.broadcast %cumsum3A : i1 to vector<16xi1>
        %cumsum3A_318 = tpu.scan <sum>, %rev3A_316 masked %cumsum3A_317 : vector<16xi32>, vector<16xi1> -> vector<16xi32>
        %rev3A_319 = arith.constant 15 : i32
        %rev3A_320 = vector.broadcast %rev3A_319 : i32 to vector<16xi32>
        %rev3A_321 = tpu.iota {dimensions = array<i32: 0>} : vector<16xi32>
        %rev3A_322 = arith.subi %rev3A_320, %rev3A_321 : vector<16xi32>
        %rev3A_323 = tpu.dynamic_gather %cumsum3A_318[%rev3A_322] in [0] : vector<16xi32>, vector<16xi32> -> vector<16xi32>
        %add3A_324 = vector.broadcast %select_n3A_307 : i32 to vector<16xi32>
        %add3A_325 = arith.addi %rev3A_323, %add3A_324 : vector<16xi32>
        %ge3A_326 = arith.constant 64 : i32
        %ge3A_327 = vector.broadcast %ge3A_326 : i32 to vector<16xi32>
        %ge3A_328 = arith.cmpi sge, %add3A_325, %ge3A_327 : vector<16xi32>
        %convert_element_type3A = arith.extui %ge3A_328 : vector<16xi1> to vector<16xi32>
        %reduce_sum3A_329 = arith.constant true
        %reduce_sum3A_330 = vector.broadcast %reduce_sum3A_329 : i1 to vector<16xi1>
        %reduce_sum3A_331 = tpu.scan <sum>, %convert_element_type3A masked %reduce_sum3A_330 : vector<16xi32>, vector<16xi1> -> vector<16xi32>
        %reduce_sum3A_332 = vector.extract %reduce_sum3A_331[15] : i32 from vector<16xi32>
        %sub3A = arith.constant 1 : i32
        %sub3A_333 = arith.subi %reduce_sum3A_332, %sub3A : i32
        %gt3A = vector.broadcast %sub3A_333 : i32 to vector<16xi32>
        %gt3A_334 = arith.cmpi sgt, %iota3A, %gt3A : vector<16xi32>
        %jit3A_335 = arith.constant 0 : i32
        %broadcast_in_dim3A_336 = vector.broadcast %jit3A_335 : i32 to vector<16xi32>
        %select_n3A_337 = arith.select %gt3A_334, %get3A_312, %broadcast_in_dim3A_336 : vector<16xi1>, vector<16xi32>
        %reduce_sum3A_338 = arith.constant true
        %reduce_sum3A_339 = vector.broadcast %reduce_sum3A_338 : i1 to vector<16xi1>
        %reduce_sum3A_340 = tpu.scan <sum>, %select_n3A_337 masked %reduce_sum3A_339 : vector<16xi32>, vector<16xi1> -> vector<16xi32>
        %reduce_sum3A_341 = vector.extract %reduce_sum3A_340[15] : i32 from vector<16xi32>
        %add3A_342 = arith.addi %select_n3A_307, %reduce_sum3A_341 : i32
        %sub3A_343 = arith.constant 64 : i32
        %sub3A_344 = arith.subi %sub3A_343, %add3A_342 : i32
        %mul3A_345 = arith.constant 16 : i32
        %mul3A_346 = arith.muli %select_n3A_306, %mul3A_345 : i32
        %add3A_347 = arith.addi %mul3A_346, %sub3A_333 : i32
        %scan3A_348 = arith.constant 0 : i32
        %scan3A_349 = arith.constant 192 : i32
        %scan3A_350 = arith.addi %scan3A_348, %scan3A_349 : i32
        %scan3A_351 = arith.constant 1 : i32
        %scan3A_352 = scf.for %scan3A_861 = %scan3A_348 to %scan3A_350 step %scan3A_351 iter_args(%scan3A_862 = %broadcast_in_dim3A_1) -> (vector<16xi32>)  : i32 {
          %mul3A_863 = arith.constant 16 : i32
          %mul3A_864 = arith.muli %scan3A_861, %mul3A_863 : i32
          %add3A_865 = arith.addi %mul3A_39, %mul3A_864 : i32
          %get3A_866 = arith.index_cast %add3A_865 : i32 to index
          %get3A_867 = tpu.vector_load %arg4[%get3A_866] {strides = array<i32>} : memref<24576xi32, #tpu.memory_space<vmem>>, vector<16xi32>,
          %shift_right_arithmetic3A_868 = arith.constant 31 : i32
          %shift_right_arithmetic3A_869 = vector.broadcast %shift_right_arithmetic3A_868 : i32 to vector<16xi32>
          %shift_right_arithmetic3A_870 = arith.shrsi %get3A_867, %shift_right_arithmetic3A_869 : vector<16xi32>
          %and3A_871 = arith.constant 2147483647 : i32
          %and3A_872 = vector.broadcast %and3A_871 : i32 to vector<16xi32>
          %and3A_873 = arith.andi %shift_right_arithmetic3A_870, %and3A_872 : vector<16xi32>
          %xor3A = arith.xori %get3A_867, %and3A_873 : vector<16xi32>
          %shift_right_arithmetic3A_874 = arith.constant 24 : i32
          %shift_right_arithmetic3A_875 = vector.broadcast %shift_right_arithmetic3A_874 : i32 to vector<16xi32>
          %shift_right_arithmetic3A_876 = arith.shrsi %xor3A, %shift_right_arithmetic3A_875 : vector<16xi32>
          %add3A_877 = arith.constant 128 : i32
          %add3A_878 = vector.broadcast %add3A_877 : i32 to vector<16xi32>
          %add3A_879 = arith.addi %shift_right_arithmetic3A_876, %add3A_878 : vector<16xi32>
          %eq3A = vector.broadcast %add3A_347 : i32 to vector<16xi32>
          %eq3A_880 = arith.cmpi eq, %add3A_879, %eq3A : vector<16xi32>
          %convert_element_type3A_881 = arith.extui %eq3A_880 : vector<16xi1> to vector<16xi32>
          %cumsum3A_882 = arith.constant true
          %cumsum3A_883 = vector.broadcast %cumsum3A_882 : i1 to vector<16xi1>
          %cumsum3A_884 = tpu.scan <sum>, %convert_element_type3A_881 masked %cumsum3A_883 : vector<16xi32>, vector<16xi1> -> vector<16xi32>
          %add3A_885 = arith.addi %scan3A_862, %cumsum3A_884 : vector<16xi32>
          %sub3A_886 = arith.subi %add3A_885, %convert_element_type3A_881 : vector<16xi32>
          tpu.vector_store_idx %arg7[%sub3A_886], %xor3A masked %eq3A_880 : memref<3120xi32, #tpu.memory_space<vmem>>[vector<16xi32>], vector<16xi32>, vector<16xi1>
          %mul3A_887 = arith.constant 16 : i32
          %mul3A_888 = vector.broadcast %mul3A_887 : i32 to vector<16xi32>
          %mul3A_889 = arith.muli %add3A_879, %mul3A_888 : vector<16xi32>
          %add3A_890 = arith.addi %mul3A_889, %iota3A : vector<16xi32>
          tpu.vector_store_idx %arg5[%add3A_890], %broadcast_in_dim3A_1 : memref<4096xi32, #tpu.memory_space<vmem>>[vector<16xi32>], vector<16xi32>,
          %all_reduce_population_count3A = tpu.all_reduce %eq3A_880 {dim = 0 : i64, kind = #tpu.reduction_kind<sum>} : vector<16xi1> -> vector<16xi32>
          %add3A_891 = arith.addi %scan3A_862, %all_reduce_population_count3A : vector<16xi32>
          scf.yield %add3A_891 : vector<16xi32>
        }
        %scan3A_353 = arith.constant 192 : i32
        %broadcast_in_dim3A_354 = arith.constant -2147483648 : i32
        %broadcast_in_dim3A_355 = vector.broadcast %broadcast_in_dim3A_354 : i32 to vector<16xi32>
        %add3A_356 = arith.constant 0 : i32
        %add3A_357 = vector.broadcast %add3A_356 : i32 to vector<16xi32>
        %add3A_358 = arith.addi %scan3A_352, %add3A_357 : vector<16xi32>
        %add3A_359 = arith.addi %add3A_358, %iota3A : vector<16xi32>
        tpu.vector_store_idx %arg7[%add3A_359], %broadcast_in_dim3A_355 : memref<3120xi32, #tpu.memory_space<vmem>>[vector<16xi32>], vector<16xi32>,
        %add3A_360 = arith.constant 16 : i32
        %add3A_361 = vector.broadcast %add3A_360 : i32 to vector<16xi32>
        %add3A_362 = arith.addi %scan3A_352, %add3A_361 : vector<16xi32>
        %add3A_363 = arith.addi %add3A_362, %iota3A : vector<16xi32>
        tpu.vector_store_idx %arg7[%add3A_363], %broadcast_in_dim3A_355 : memref<3120xi32, #tpu.memory_space<vmem>>[vector<16xi32>], vector<16xi32>,
        %add3A_364 = arith.constant 32 : i32
        %add3A_365 = vector.broadcast %add3A_364 : i32 to vector<16xi32>
        %add3A_366 = arith.addi %scan3A_352, %add3A_365 : vector<16xi32>
        %add3A_367 = arith.addi %add3A_366, %iota3A : vector<16xi32>
        tpu.vector_store_idx %arg7[%add3A_367], %broadcast_in_dim3A_355 : memref<3120xi32, #tpu.memory_space<vmem>>[vector<16xi32>], vector<16xi32>,
        %reduce_sum3A_368 = arith.constant true
        %reduce_sum3A_369 = vector.broadcast %reduce_sum3A_368 : i1 to vector<16xi1>
        %reduce_sum3A_370 = tpu.scan <sum>, %scan3A_352 masked %reduce_sum3A_369 : vector<16xi32>, vector<16xi1> -> vector<16xi32>
        %reduce_sum3A_371 = vector.extract %reduce_sum3A_370[15] : i32 from vector<16xi32>
        %shift_right_arithmetic3A = arith.constant 4 : i32
        %shift_right_arithmetic3A_372 = arith.shrsi %reduce_sum3A_371, %shift_right_arithmetic3A : i32
        %add3A_373 = arith.constant 32 : i32
        %add3A_374 = arith.addi %shift_right_arithmetic3A_372, %add3A_373 : i32
        %sub3A_375 = arith.constant 1 : i32
        %sub3A_376 = arith.subi %add3A_374, %sub3A_375 : i32
        %jit3A_377 = arith.constant 16 : i32
        %div3A = arith.divsi %sub3A_376, %jit3A_377 : i32
        %sign3A = arith.constant 0 : i32
        %sign3A_378 = arith.cmpi sgt, %sub3A_376, %sign3A : i32
        %sign3A_379 = arith.extui %sign3A_378 : i1 to i32
        %sign3A_380 = arith.constant 0 : i32
        %sign3A_381 = arith.cmpi slt, %sub3A_376, %sign3A_380 : i32
        %sign3A_382 = arith.extui %sign3A_381 : i1 to i32
        %sign3A_383 = arith.subi %sign3A_379, %sign3A_382 : i32
        %sign3A_384 = arith.constant 0 : i32
        %sign3A_385 = arith.cmpi sgt, %jit3A_377, %sign3A_384 : i32
        %sign3A_386 = arith.extui %sign3A_385 : i1 to i32
        %sign3A_387 = arith.constant 0 : i32
        %sign3A_388 = arith.cmpi slt, %jit3A_377, %sign3A_387 : i32
        %sign3A_389 = arith.extui %sign3A_388 : i1 to i32
        %sign3A_390 = arith.subi %sign3A_386, %sign3A_389 : i32
        %ne3A = arith.cmpi ne, %sign3A_383, %sign3A_390 : i32
        %rem3A = arith.remsi %sub3A_376, %jit3A_377 : i32
        %ne3A_391 = arith.constant 0 : i32
        %ne3A_392 = arith.cmpi ne, %rem3A, %ne3A_391 : i32
        %and3A_393 = arith.andi %ne3A, %ne3A_392 : i1
        %sub3A_394 = arith.constant 1 : i32
        %sub3A_395 = arith.subi %div3A, %sub3A_394 : i32
        %select_n3A_396 = arith.select %and3A_393, %sub3A_395, %div3A : i32
        %sub3A_397 = arith.constant 128 : i32
        %sub3A_398 = arith.subi %add3A_347, %sub3A_397 : i32
        %shift_left3A = arith.constant 24 : i32
        %shift_left3A_399 = arith.shli %sub3A_398, %shift_left3A : i32
        %add3A_400 = arith.constant 8388608 : i32
        %add3A_401 = arith.addi %shift_left3A_399, %add3A_400 : i32
        %while3A = arith.constant 0 : i32
        %while3A_402 = arith.subi %select_n3A_396, %while3A : i32
        %while3A_403 = arith.addi %while3A, %while3A_402 : i32
        %while3A_404 = arith.constant 1 : i32
        %while3A_405 = arith.divsi %while3A_402, %while3A_404 : i32
        %while3A_406 = arith.muli %while3A_405, %while3A_404 : i32
        %while3A_407 = arith.addi %while3A, %while3A_406 : i32
        %while3A_408 = arith.constant 1 : i32
        %while3A_409 = scf.for %while3A_861 = %while3A to %while3A_407 step %while3A_408 iter_args(%while3A_862 = %broadcast_in_dim3A_1) -> (vector<16xi32>)  : i32 {
          %mul3A_863 = arith.constant 16 : i32
          %mul3A_864 = arith.muli %while3A_861, %mul3A_863 : i32
          %get3A_865 = arith.index_cast %mul3A_864 : i32 to index
          %get3A_866 = tpu.vector_load %arg7[%get3A_865] {strides = array<i32>} : memref<3120xi32, #tpu.memory_space<vmem>>, vector<16xi32>,
          %ge3A_867 = vector.broadcast %add3A_401 : i32 to vector<16xi32>
          %ge3A_868 = arith.cmpi sge, %get3A_866, %ge3A_867 : vector<16xi32>
          %convert_element_type3A_869 = arith.extui %ge3A_868 : vector<16xi1> to vector<16xi32>
          %add3A_870 = arith.addi %while3A_862, %convert_element_type3A_869 : vector<16xi32>
          scf.yield %add3A_870 : vector<16xi32>
        }
        %while3A_410 = arith.constant 1 : i32
        %while3A_411 = scf.for %while3A_861 = %while3A_407 to %while3A_403 step %while3A_410 iter_args(%while3A_862 = %while3A_409) -> (vector<16xi32>)  : i32 {
          %mul3A_863 = arith.constant 16 : i32
          %mul3A_864 = arith.muli %while3A_861, %mul3A_863 : i32
          %get3A_865 = arith.index_cast %mul3A_864 : i32 to index
          %get3A_866 = tpu.vector_load %arg7[%get3A_865] {strides = array<i32>} : memref<3120xi32, #tpu.memory_space<vmem>>, vector<16xi32>,
          %ge3A_867 = vector.broadcast %add3A_401 : i32 to vector<16xi32>
          %ge3A_868 = arith.cmpi sge, %get3A_866, %ge3A_867 : vector<16xi32>
          %convert_element_type3A_869 = arith.extui %ge3A_868 : vector<16xi1> to vector<16xi32>
          %add3A_870 = arith.addi %while3A_862, %convert_element_type3A_869 : vector<16xi32>
          scf.yield %add3A_870 : vector<16xi32>
        }
        %reduce_sum3A_412 = arith.constant true
        %reduce_sum3A_413 = vector.broadcast %reduce_sum3A_412 : i1 to vector<16xi1>
        %reduce_sum3A_414 = tpu.scan <sum>, %while3A_411 masked %reduce_sum3A_413 : vector<16xi32>, vector<16xi1> -> vector<16xi32>
        %reduce_sum3A_415 = vector.extract %reduce_sum3A_414[15] : i32 from vector<16xi32>
        %ge3A_416 = arith.cmpi sge, %reduce_sum3A_415, %sub3A_344 : i32
        %select_n3A_417 = arith.select %ge3A_416, %add3A_401, %shift_left3A_399 : i32
        %add3A_418 = arith.constant 4194304 : i32
        %add3A_419 = arith.addi %select_n3A_417, %add3A_418 : i32
        %while3A_420 = arith.constant 0 : i32
        %while3A_421 = arith.subi %select_n3A_396, %while3A_420 : i32
        %while3A_422 = arith.addi %while3A_420, %while3A_421 : i32
        %while3A_423 = arith.constant 1 : i32
        %while3A_424 = arith.divsi %while3A_421, %while3A_423 : i32
        %while3A_425 = arith.muli %while3A_424, %while3A_423 : i32
        %while3A_426 = arith.addi %while3A_420, %while3A_425 : i32
        %while3A_427 = arith.constant 1 : i32
        %while3A_428 = scf.for %while3A_861 = %while3A_420 to %while3A_426 step %while3A_427 iter_args(%while3A_862 = %broadcast_in_dim3A_1) -> (vector<16xi32>)  : i32 {
          %mul3A_863 = arith.constant 16 : i32
          %mul3A_864 = arith.muli %while3A_861, %mul3A_863 : i32
          %get3A_865 = arith.index_cast %mul3A_864 : i32 to index
          %get3A_866 = tpu.vector_load %arg7[%get3A_865] {strides = array<i32>} : memref<3120xi32, #tpu.memory_space<vmem>>, vector<16xi32>,
          %ge3A_867 = vector.broadcast %add3A_419 : i32 to vector<16xi32>
          %ge3A_868 = arith.cmpi sge, %get3A_866, %ge3A_867 : vector<16xi32>
          %convert_element_type3A_869 = arith.extui %ge3A_868 : vector<16xi1> to vector<16xi32>
          %add3A_870 = arith.addi %while3A_862, %convert_element_type3A_869 : vector<16xi32>
          scf.yield %add3A_870 : vector<16xi32>
        }
        %while3A_429 = arith.constant 1 : i32
        %while3A_430 = scf.for %while3A_861 = %while3A_426 to %while3A_422 step %while3A_429 iter_args(%while3A_862 = %while3A_428) -> (vector<16xi32>)  : i32 {
          %mul3A_863 = arith.constant 16 : i32
          %mul3A_864 = arith.muli %while3A_861, %mul3A_863 : i32
          %get3A_865 = arith.index_cast %mul3A_864 : i32 to index
          %get3A_866 = tpu.vector_load %arg7[%get3A_865] {strides = array<i32>} : memref<3120xi32, #tpu.memory_space<vmem>>, vector<16xi32>,
          %ge3A_867 = vector.broadcast %add3A_419 : i32 to vector<16xi32>
          %ge3A_868 = arith.cmpi sge, %get3A_866, %ge3A_867 : vector<16xi32>
          %convert_element_type3A_869 = arith.extui %ge3A_868 : vector<16xi1> to vector<16xi32>
          %add3A_870 = arith.addi %while3A_862, %convert_element_type3A_869 : vector<16xi32>
          scf.yield %add3A_870 : vector<16xi32>
        }
        %reduce_sum3A_431 = arith.constant true
        %reduce_sum3A_432 = vector.broadcast %reduce_sum3A_431 : i1 to vector<16xi1>
        %reduce_sum3A_433 = tpu.scan <sum>, %while3A_430 masked %reduce_sum3A_432 : vector<16xi32>, vector<16xi1> -> vector<16xi32>
        %reduce_sum3A_434 = vector.extract %reduce_sum3A_433[15] : i32 from vector<16xi32>
        %ge3A_435 = arith.cmpi sge, %reduce_sum3A_434, %sub3A_344 : i32
        %select_n3A_436 = arith.select %ge3A_435, %add3A_419, %select_n3A_417 : i32
        %add3A_437 = arith.constant 2097152 : i32
        %add3A_438 = arith.addi %select_n3A_436, %add3A_437 : i32
        %while3A_439 = arith.constant 0 : i32
        %while3A_440 = arith.subi %select_n3A_396, %while3A_439 : i32
        %while3A_441 = arith.addi %while3A_439, %while3A_440 : i32
        %while3A_442 = arith.constant 1 : i32
        %while3A_443 = arith.divsi %while3A_440, %while3A_442 : i32
        %while3A_444 = arith.muli %while3A_443, %while3A_442 : i32
        %while3A_445 = arith.addi %while3A_439, %while3A_444 : i32
        %while3A_446 = arith.constant 1 : i32
        %while3A_447 = scf.for %while3A_861 = %while3A_439 to %while3A_445 step %while3A_446 iter_args(%while3A_862 = %broadcast_in_dim3A_1) -> (vector<16xi32>)  : i32 {
          %mul3A_863 = arith.constant 16 : i32
          %mul3A_864 = arith.muli %while3A_861, %mul3A_863 : i32
          %get3A_865 = arith.index_cast %mul3A_864 : i32 to index
          %get3A_866 = tpu.vector_load %arg7[%get3A_865] {strides = array<i32>} : memref<3120xi32, #tpu.memory_space<vmem>>, vector<16xi32>,
          %ge3A_867 = vector.broadcast %add3A_438 : i32 to vector<16xi32>
          %ge3A_868 = arith.cmpi sge, %get3A_866, %ge3A_867 : vector<16xi32>
          %convert_element_type3A_869 = arith.extui %ge3A_868 : vector<16xi1> to vector<16xi32>
          %add3A_870 = arith.addi %while3A_862, %convert_element_type3A_869 : vector<16xi32>
          scf.yield %add3A_870 : vector<16xi32>
        }
        %while3A_448 = arith.constant 1 : i32
        %while3A_449 = scf.for %while3A_861 = %while3A_445 to %while3A_441 step %while3A_448 iter_args(%while3A_862 = %while3A_447) -> (vector<16xi32>)  : i32 {
          %mul3A_863 = arith.constant 16 : i32
          %mul3A_864 = arith.muli %while3A_861, %mul3A_863 : i32
          %get3A_865 = arith.index_cast %mul3A_864 : i32 to index
          %get3A_866 = tpu.vector_load %arg7[%get3A_865] {strides = array<i32>} : memref<3120xi32, #tpu.memory_space<vmem>>, vector<16xi32>,
          %ge3A_867 = vector.broadcast %add3A_438 : i32 to vector<16xi32>
          %ge3A_868 = arith.cmpi sge, %get3A_866, %ge3A_867 : vector<16xi32>
          %convert_element_type3A_869 = arith.extui %ge3A_868 : vector<16xi1> to vector<16xi32>
          %add3A_870 = arith.addi %while3A_862, %convert_element_type3A_869 : vector<16xi32>
          scf.yield %add3A_870 : vector<16xi32>
        }
        %reduce_sum3A_450 = arith.constant true
        %reduce_sum3A_451 = vector.broadcast %reduce_sum3A_450 : i1 to vector<16xi1>
        %reduce_sum3A_452 = tpu.scan <sum>, %while3A_449 masked %reduce_sum3A_451 : vector<16xi32>, vector<16xi1> -> vector<16xi32>
        %reduce_sum3A_453 = vector.extract %reduce_sum3A_452[15] : i32 from vector<16xi32>
        %ge3A_454 = arith.cmpi sge, %reduce_sum3A_453, %sub3A_344 : i32
        %select_n3A_455 = arith.select %ge3A_454, %add3A_438, %select_n3A_436 : i32
        %add3A_456 = arith.constant 1048576 : i32
        %add3A_457 = arith.addi %select_n3A_455, %add3A_456 : i32
        %while3A_458 = arith.constant 0 : i32
        %while3A_459 = arith.subi %select_n3A_396, %while3A_458 : i32
        %while3A_460 = arith.addi %while3A_458, %while3A_459 : i32
        %while3A_461 = arith.constant 1 : i32
        %while3A_462 = arith.divsi %while3A_459, %while3A_461 : i32
        %while3A_463 = arith.muli %while3A_462, %while3A_461 : i32
        %while3A_464 = arith.addi %while3A_458, %while3A_463 : i32
        %while3A_465 = arith.constant 1 : i32
        %while3A_466 = scf.for %while3A_861 = %while3A_458 to %while3A_464 step %while3A_465 iter_args(%while3A_862 = %broadcast_in_dim3A_1) -> (vector<16xi32>)  : i32 {
          %mul3A_863 = arith.constant 16 : i32
          %mul3A_864 = arith.muli %while3A_861, %mul3A_863 : i32
          %get3A_865 = arith.index_cast %mul3A_864 : i32 to index
          %get3A_866 = tpu.vector_load %arg7[%get3A_865] {strides = array<i32>} : memref<3120xi32, #tpu.memory_space<vmem>>, vector<16xi32>,
          %ge3A_867 = vector.broadcast %add3A_457 : i32 to vector<16xi32>
          %ge3A_868 = arith.cmpi sge, %get3A_866, %ge3A_867 : vector<16xi32>
          %convert_element_type3A_869 = arith.extui %ge3A_868 : vector<16xi1> to vector<16xi32>
          %add3A_870 = arith.addi %while3A_862, %convert_element_type3A_869 : vector<16xi32>
          scf.yield %add3A_870 : vector<16xi32>
        }
        %while3A_467 = arith.constant 1 : i32
        %while3A_468 = scf.for %while3A_861 = %while3A_464 to %while3A_460 step %while3A_467 iter_args(%while3A_862 = %while3A_466) -> (vector<16xi32>)  : i32 {
          %mul3A_863 = arith.constant 16 : i32
          %mul3A_864 = arith.muli %while3A_861, %mul3A_863 : i32
          %get3A_865 = arith.index_cast %mul3A_864 : i32 to index
          %get3A_866 = tpu.vector_load %arg7[%get3A_865] {strides = array<i32>} : memref<3120xi32, #tpu.memory_space<vmem>>, vector<16xi32>,
          %ge3A_867 = vector.broadcast %add3A_457 : i32 to vector<16xi32>
          %ge3A_868 = arith.cmpi sge, %get3A_866, %ge3A_867 : vector<16xi32>
          %convert_element_type3A_869 = arith.extui %ge3A_868 : vector<16xi1> to vector<16xi32>
          %add3A_870 = arith.addi %while3A_862, %convert_element_type3A_869 : vector<16xi32>
          scf.yield %add3A_870 : vector<16xi32>
        }
        %reduce_sum3A_469 = arith.constant true
        %reduce_sum3A_470 = vector.broadcast %reduce_sum3A_469 : i1 to vector<16xi1>
        %reduce_sum3A_471 = tpu.scan <sum>, %while3A_468 masked %reduce_sum3A_470 : vector<16xi32>, vector<16xi1> -> vector<16xi32>
        %reduce_sum3A_472 = vector.extract %reduce_sum3A_471[15] : i32 from vector<16xi32>
        %ge3A_473 = arith.cmpi sge, %reduce_sum3A_472, %sub3A_344 : i32
        %select_n3A_474 = arith.select %ge3A_473, %add3A_457, %select_n3A_455 : i32
        %add3A_475 = arith.constant 524288 : i32
        %add3A_476 = arith.addi %select_n3A_474, %add3A_475 : i32
        %while3A_477 = arith.constant 0 : i32
        %while3A_478 = arith.subi %select_n3A_396, %while3A_477 : i32
        %while3A_479 = arith.addi %while3A_477, %while3A_478 : i32
        %while3A_480 = arith.constant 1 : i32
        %while3A_481 = arith.divsi %while3A_478, %while3A_480 : i32
        %while3A_482 = arith.muli %while3A_481, %while3A_480 : i32
        %while3A_483 = arith.addi %while3A_477, %while3A_482 : i32
        %while3A_484 = arith.constant 1 : i32
        %while3A_485 = scf.for %while3A_861 = %while3A_477 to %while3A_483 step %while3A_484 iter_args(%while3A_862 = %broadcast_in_dim3A_1) -> (vector<16xi32>)  : i32 {
          %mul3A_863 = arith.constant 16 : i32
          %mul3A_864 = arith.muli %while3A_861, %mul3A_863 : i32
          %get3A_865 = arith.index_cast %mul3A_864 : i32 to index
          %get3A_866 = tpu.vector_load %arg7[%get3A_865] {strides = array<i32>} : memref<3120xi32, #tpu.memory_space<vmem>>, vector<16xi32>,
          %ge3A_867 = vector.broadcast %add3A_476 : i32 to vector<16xi32>
          %ge3A_868 = arith.cmpi sge, %get3A_866, %ge3A_867 : vector<16xi32>
          %convert_element_type3A_869 = arith.extui %ge3A_868 : vector<16xi1> to vector<16xi32>
          %add3A_870 = arith.addi %while3A_862, %convert_element_type3A_869 : vector<16xi32>
          scf.yield %add3A_870 : vector<16xi32>
        }
        %while3A_486 = arith.constant 1 : i32
        %while3A_487 = scf.for %while3A_861 = %while3A_483 to %while3A_479 step %while3A_486 iter_args(%while3A_862 = %while3A_485) -> (vector<16xi32>)  : i32 {
          %mul3A_863 = arith.constant 16 : i32
          %mul3A_864 = arith.muli %while3A_861, %mul3A_863 : i32
          %get3A_865 = arith.index_cast %mul3A_864 : i32 to index
          %get3A_866 = tpu.vector_load %arg7[%get3A_865] {strides = array<i32>} : memref<3120xi32, #tpu.memory_space<vmem>>, vector<16xi32>,
          %ge3A_867 = vector.broadcast %add3A_476 : i32 to vector<16xi32>
          %ge3A_868 = arith.cmpi sge, %get3A_866, %ge3A_867 : vector<16xi32>
          %convert_element_type3A_869 = arith.extui %ge3A_868 : vector<16xi1> to vector<16xi32>
          %add3A_870 = arith.addi %while3A_862, %convert_element_type3A_869 : vector<16xi32>
          scf.yield %add3A_870 : vector<16xi32>
        }
        %reduce_sum3A_488 = arith.constant true
        %reduce_sum3A_489 = vector.broadcast %reduce_sum3A_488 : i1 to vector<16xi1>
        %reduce_sum3A_490 = tpu.scan <sum>, %while3A_487 masked %reduce_sum3A_489 : vector<16xi32>, vector<16xi1> -> vector<16xi32>
        %reduce_sum3A_491 = vector.extract %reduce_sum3A_490[15] : i32 from vector<16xi32>
        %ge3A_492 = arith.cmpi sge, %reduce_sum3A_491, %sub3A_344 : i32
        %select_n3A_493 = arith.select %ge3A_492, %add3A_476, %select_n3A_474 : i32
        %add3A_494 = arith.constant 262144 : i32
        %add3A_495 = arith.addi %select_n3A_493, %add3A_494 : i32
        %while3A_496 = arith.constant 0 : i32
        %while3A_497 = arith.subi %select_n3A_396, %while3A_496 : i32
        %while3A_498 = arith.addi %while3A_496, %while3A_497 : i32
        %while3A_499 = arith.constant 1 : i32
        %while3A_500 = arith.divsi %while3A_497, %while3A_499 : i32
        %while3A_501 = arith.muli %while3A_500, %while3A_499 : i32
        %while3A_502 = arith.addi %while3A_496, %while3A_501 : i32
        %while3A_503 = arith.constant 1 : i32
        %while3A_504 = scf.for %while3A_861 = %while3A_496 to %while3A_502 step %while3A_503 iter_args(%while3A_862 = %broadcast_in_dim3A_1) -> (vector<16xi32>)  : i32 {
          %mul3A_863 = arith.constant 16 : i32
          %mul3A_864 = arith.muli %while3A_861, %mul3A_863 : i32
          %get3A_865 = arith.index_cast %mul3A_864 : i32 to index
          %get3A_866 = tpu.vector_load %arg7[%get3A_865] {strides = array<i32>} : memref<3120xi32, #tpu.memory_space<vmem>>, vector<16xi32>,
          %ge3A_867 = vector.broadcast %add3A_495 : i32 to vector<16xi32>
          %ge3A_868 = arith.cmpi sge, %get3A_866, %ge3A_867 : vector<16xi32>
          %convert_element_type3A_869 = arith.extui %ge3A_868 : vector<16xi1> to vector<16xi32>
          %add3A_870 = arith.addi %while3A_862, %convert_element_type3A_869 : vector<16xi32>
          scf.yield %add3A_870 : vector<16xi32>
        }
        %while3A_505 = arith.constant 1 : i32
        %while3A_506 = scf.for %while3A_861 = %while3A_502 to %while3A_498 step %while3A_505 iter_args(%while3A_862 = %while3A_504) -> (vector<16xi32>)  : i32 {
          %mul3A_863 = arith.constant 16 : i32
          %mul3A_864 = arith.muli %while3A_861, %mul3A_863 : i32
          %get3A_865 = arith.index_cast %mul3A_864 : i32 to index
          %get3A_866 = tpu.vector_load %arg7[%get3A_865] {strides = array<i32>} : memref<3120xi32, #tpu.memory_space<vmem>>, vector<16xi32>,
          %ge3A_867 = vector.broadcast %add3A_495 : i32 to vector<16xi32>
          %ge3A_868 = arith.cmpi sge, %get3A_866, %ge3A_867 : vector<16xi32>
          %convert_element_type3A_869 = arith.extui %ge3A_868 : vector<16xi1> to vector<16xi32>
          %add3A_870 = arith.addi %while3A_862, %convert_element_type3A_869 : vector<16xi32>
          scf.yield %add3A_870 : vector<16xi32>
        }
        %reduce_sum3A_507 = arith.constant true
        %reduce_sum3A_508 = vector.broadcast %reduce_sum3A_507 : i1 to vector<16xi1>
        %reduce_sum3A_509 = tpu.scan <sum>, %while3A_506 masked %reduce_sum3A_508 : vector<16xi32>, vector<16xi1> -> vector<16xi32>
        %reduce_sum3A_510 = vector.extract %reduce_sum3A_509[15] : i32 from vector<16xi32>
        %ge3A_511 = arith.cmpi sge, %reduce_sum3A_510, %sub3A_344 : i32
        %select_n3A_512 = arith.select %ge3A_511, %add3A_495, %select_n3A_493 : i32
        %add3A_513 = arith.constant 131072 : i32
        %add3A_514 = arith.addi %select_n3A_512, %add3A_513 : i32
        %while3A_515 = arith.constant 0 : i32
        %while3A_516 = arith.subi %select_n3A_396, %while3A_515 : i32
        %while3A_517 = arith.addi %while3A_515, %while3A_516 : i32
        %while3A_518 = arith.constant 1 : i32
        %while3A_519 = arith.divsi %while3A_516, %while3A_518 : i32
        %while3A_520 = arith.muli %while3A_519, %while3A_518 : i32
        %while3A_521 = arith.addi %while3A_515, %while3A_520 : i32
        %while3A_522 = arith.constant 1 : i32
        %while3A_523 = scf.for %while3A_861 = %while3A_515 to %while3A_521 step %while3A_522 iter_args(%while3A_862 = %broadcast_in_dim3A_1) -> (vector<16xi32>)  : i32 {
          %mul3A_863 = arith.constant 16 : i32
          %mul3A_864 = arith.muli %while3A_861, %mul3A_863 : i32
          %get3A_865 = arith.index_cast %mul3A_864 : i32 to index
          %get3A_866 = tpu.vector_load %arg7[%get3A_865] {strides = array<i32>} : memref<3120xi32, #tpu.memory_space<vmem>>, vector<16xi32>,
          %ge3A_867 = vector.broadcast %add3A_514 : i32 to vector<16xi32>
          %ge3A_868 = arith.cmpi sge, %get3A_866, %ge3A_867 : vector<16xi32>
          %convert_element_type3A_869 = arith.extui %ge3A_868 : vector<16xi1> to vector<16xi32>
          %add3A_870 = arith.addi %while3A_862, %convert_element_type3A_869 : vector<16xi32>
          scf.yield %add3A_870 : vector<16xi32>
        }
        %while3A_524 = arith.constant 1 : i32
        %while3A_525 = scf.for %while3A_861 = %while3A_521 to %while3A_517 step %while3A_524 iter_args(%while3A_862 = %while3A_523) -> (vector<16xi32>)  : i32 {
          %mul3A_863 = arith.constant 16 : i32
          %mul3A_864 = arith.muli %while3A_861, %mul3A_863 : i32
          %get3A_865 = arith.index_cast %mul3A_864 : i32 to index
          %get3A_866 = tpu.vector_load %arg7[%get3A_865] {strides = array<i32>} : memref<3120xi32, #tpu.memory_space<vmem>>, vector<16xi32>,
          %ge3A_867 = vector.broadcast %add3A_514 : i32 to vector<16xi32>
          %ge3A_868 = arith.cmpi sge, %get3A_866, %ge3A_867 : vector<16xi32>
          %convert_element_type3A_869 = arith.extui %ge3A_868 : vector<16xi1> to vector<16xi32>
          %add3A_870 = arith.addi %while3A_862, %convert_element_type3A_869 : vector<16xi32>
          scf.yield %add3A_870 : vector<16xi32>
        }
        %reduce_sum3A_526 = arith.constant true
        %reduce_sum3A_527 = vector.broadcast %reduce_sum3A_526 : i1 to vector<16xi1>
        %reduce_sum3A_528 = tpu.scan <sum>, %while3A_525 masked %reduce_sum3A_527 : vector<16xi32>, vector<16xi1> -> vector<16xi32>
        %reduce_sum3A_529 = vector.extract %reduce_sum3A_528[15] : i32 from vector<16xi32>
        %ge3A_530 = arith.cmpi sge, %reduce_sum3A_529, %sub3A_344 : i32
        %select_n3A_531 = arith.select %ge3A_530, %add3A_514, %select_n3A_512 : i32
        %add3A_532 = arith.constant 65536 : i32
        %add3A_533 = arith.addi %select_n3A_531, %add3A_532 : i32
        %while3A_534 = arith.constant 0 : i32
        %while3A_535 = arith.subi %select_n3A_396, %while3A_534 : i32
        %while3A_536 = arith.addi %while3A_534, %while3A_535 : i32
        %while3A_537 = arith.constant 1 : i32
        %while3A_538 = arith.divsi %while3A_535, %while3A_537 : i32
        %while3A_539 = arith.muli %while3A_538, %while3A_537 : i32
        %while3A_540 = arith.addi %while3A_534, %while3A_539 : i32
        %while3A_541 = arith.constant 1 : i32
        %while3A_542 = scf.for %while3A_861 = %while3A_534 to %while3A_540 step %while3A_541 iter_args(%while3A_862 = %broadcast_in_dim3A_1) -> (vector<16xi32>)  : i32 {
          %mul3A_863 = arith.constant 16 : i32
          %mul3A_864 = arith.muli %while3A_861, %mul3A_863 : i32
          %get3A_865 = arith.index_cast %mul3A_864 : i32 to index
          %get3A_866 = tpu.vector_load %arg7[%get3A_865] {strides = array<i32>} : memref<3120xi32, #tpu.memory_space<vmem>>, vector<16xi32>,
          %ge3A_867 = vector.broadcast %add3A_533 : i32 to vector<16xi32>
          %ge3A_868 = arith.cmpi sge, %get3A_866, %ge3A_867 : vector<16xi32>
          %convert_element_type3A_869 = arith.extui %ge3A_868 : vector<16xi1> to vector<16xi32>
          %add3A_870 = arith.addi %while3A_862, %convert_element_type3A_869 : vector<16xi32>
          scf.yield %add3A_870 : vector<16xi32>
        }
        %while3A_543 = arith.constant 1 : i32
        %while3A_544 = scf.for %while3A_861 = %while3A_540 to %while3A_536 step %while3A_543 iter_args(%while3A_862 = %while3A_542) -> (vector<16xi32>)  : i32 {
          %mul3A_863 = arith.constant 16 : i32
          %mul3A_864 = arith.muli %while3A_861, %mul3A_863 : i32
          %get3A_865 = arith.index_cast %mul3A_864 : i32 to index
          %get3A_866 = tpu.vector_load %arg7[%get3A_865] {strides = array<i32>} : memref<3120xi32, #tpu.memory_space<vmem>>, vector<16xi32>,
          %ge3A_867 = vector.broadcast %add3A_533 : i32 to vector<16xi32>
          %ge3A_868 = arith.cmpi sge, %get3A_866, %ge3A_867 : vector<16xi32>
          %convert_element_type3A_869 = arith.extui %ge3A_868 : vector<16xi1> to vector<16xi32>
          %add3A_870 = arith.addi %while3A_862, %convert_element_type3A_869 : vector<16xi32>
          scf.yield %add3A_870 : vector<16xi32>
        }
        %reduce_sum3A_545 = arith.constant true
        %reduce_sum3A_546 = vector.broadcast %reduce_sum3A_545 : i1 to vector<16xi1>
        %reduce_sum3A_547 = tpu.scan <sum>, %while3A_544 masked %reduce_sum3A_546 : vector<16xi32>, vector<16xi1> -> vector<16xi32>
        %reduce_sum3A_548 = vector.extract %reduce_sum3A_547[15] : i32 from vector<16xi32>
        %ge3A_549 = arith.cmpi sge, %reduce_sum3A_548, %sub3A_344 : i32
        %select_n3A_550 = arith.select %ge3A_549, %add3A_533, %select_n3A_531 : i32
        %add3A_551 = arith.constant 32768 : i32
        %add3A_552 = arith.addi %select_n3A_550, %add3A_551 : i32
        %while3A_553 = arith.constant 0 : i32
        %while3A_554 = arith.subi %select_n3A_396, %while3A_553 : i32
        %while3A_555 = arith.addi %while3A_553, %while3A_554 : i32
        %while3A_556 = arith.constant 1 : i32
        %while3A_557 = arith.divsi %while3A_554, %while3A_556 : i32
        %while3A_558 = arith.muli %while3A_557, %while3A_556 : i32
        %while3A_559 = arith.addi %while3A_553, %while3A_558 : i32
        %while3A_560 = arith.constant 1 : i32
        %while3A_561 = scf.for %while3A_861 = %while3A_553 to %while3A_559 step %while3A_560 iter_args(%while3A_862 = %broadcast_in_dim3A_1) -> (vector<16xi32>)  : i32 {
          %mul3A_863 = arith.constant 16 : i32
          %mul3A_864 = arith.muli %while3A_861, %mul3A_863 : i32
          %get3A_865 = arith.index_cast %mul3A_864 : i32 to index
          %get3A_866 = tpu.vector_load %arg7[%get3A_865] {strides = array<i32>} : memref<3120xi32, #tpu.memory_space<vmem>>, vector<16xi32>,
          %ge3A_867 = vector.broadcast %add3A_552 : i32 to vector<16xi32>
          %ge3A_868 = arith.cmpi sge, %get3A_866, %ge3A_867 : vector<16xi32>
          %convert_element_type3A_869 = arith.extui %ge3A_868 : vector<16xi1> to vector<16xi32>
          %add3A_870 = arith.addi %while3A_862, %convert_element_type3A_869 : vector<16xi32>
          scf.yield %add3A_870 : vector<16xi32>
        }
        %while3A_562 = arith.constant 1 : i32
        %while3A_563 = scf.for %while3A_861 = %while3A_559 to %while3A_555 step %while3A_562 iter_args(%while3A_862 = %while3A_561) -> (vector<16xi32>)  : i32 {
          %mul3A_863 = arith.constant 16 : i32
          %mul3A_864 = arith.muli %while3A_861, %mul3A_863 : i32
          %get3A_865 = arith.index_cast %mul3A_864 : i32 to index
          %get3A_866 = tpu.vector_load %arg7[%get3A_865] {strides = array<i32>} : memref<3120xi32, #tpu.memory_space<vmem>>, vector<16xi32>,
          %ge3A_867 = vector.broadcast %add3A_552 : i32 to vector<16xi32>
          %ge3A_868 = arith.cmpi sge, %get3A_866, %ge3A_867 : vector<16xi32>
          %convert_element_type3A_869 = arith.extui %ge3A_868 : vector<16xi1> to vector<16xi32>
          %add3A_870 = arith.addi %while3A_862, %convert_element_type3A_869 : vector<16xi32>
          scf.yield %add3A_870 : vector<16xi32>
        }
        %reduce_sum3A_564 = arith.constant true
        %reduce_sum3A_565 = vector.broadcast %reduce_sum3A_564 : i1 to vector<16xi1>
        %reduce_sum3A_566 = tpu.scan <sum>, %while3A_563 masked %reduce_sum3A_565 : vector<16xi32>, vector<16xi1> -> vector<16xi32>
        %reduce_sum3A_567 = vector.extract %reduce_sum3A_566[15] : i32 from vector<16xi32>
        %ge3A_568 = arith.cmpi sge, %reduce_sum3A_567, %sub3A_344 : i32
        %select_n3A_569 = arith.select %ge3A_568, %add3A_552, %select_n3A_550 : i32
        %add3A_570 = arith.constant 16384 : i32
        %add3A_571 = arith.addi %select_n3A_569, %add3A_570 : i32
        %while3A_572 = arith.constant 0 : i32
        %while3A_573 = arith.subi %select_n3A_396, %while3A_572 : i32
        %while3A_574 = arith.addi %while3A_572, %while3A_573 : i32
        %while3A_575 = arith.constant 1 : i32
        %while3A_576 = arith.divsi %while3A_573, %while3A_575 : i32
        %while3A_577 = arith.muli %while3A_576, %while3A_575 : i32
        %while3A_578 = arith.addi %while3A_572, %while3A_577 : i32
        %while3A_579 = arith.constant 1 : i32
        %while3A_580 = scf.for %while3A_861 = %while3A_572 to %while3A_578 step %while3A_579 iter_args(%while3A_862 = %broadcast_in_dim3A_1) -> (vector<16xi32>)  : i32 {
          %mul3A_863 = arith.constant 16 : i32
          %mul3A_864 = arith.muli %while3A_861, %mul3A_863 : i32
          %get3A_865 = arith.index_cast %mul3A_864 : i32 to index
          %get3A_866 = tpu.vector_load %arg7[%get3A_865] {strides = array<i32>} : memref<3120xi32, #tpu.memory_space<vmem>>, vector<16xi32>,
          %ge3A_867 = vector.broadcast %add3A_571 : i32 to vector<16xi32>
          %ge3A_868 = arith.cmpi sge, %get3A_866, %ge3A_867 : vector<16xi32>
          %convert_element_type3A_869 = arith.extui %ge3A_868 : vector<16xi1> to vector<16xi32>
          %add3A_870 = arith.addi %while3A_862, %convert_element_type3A_869 : vector<16xi32>
          scf.yield %add3A_870 : vector<16xi32>
        }
        %while3A_581 = arith.constant 1 : i32
        %while3A_582 = scf.for %while3A_861 = %while3A_578 to %while3A_574 step %while3A_581 iter_args(%while3A_862 = %while3A_580) -> (vector<16xi32>)  : i32 {
          %mul3A_863 = arith.constant 16 : i32
          %mul3A_864 = arith.muli %while3A_861, %mul3A_863 : i32
          %get3A_865 = arith.index_cast %mul3A_864 : i32 to index
          %get3A_866 = tpu.vector_load %arg7[%get3A_865] {strides = array<i32>} : memref<3120xi32, #tpu.memory_space<vmem>>, vector<16xi32>,
          %ge3A_867 = vector.broadcast %add3A_571 : i32 to vector<16xi32>
          %ge3A_868 = arith.cmpi sge, %get3A_866, %ge3A_867 : vector<16xi32>
          %convert_element_type3A_869 = arith.extui %ge3A_868 : vector<16xi1> to vector<16xi32>
          %add3A_870 = arith.addi %while3A_862, %convert_element_type3A_869 : vector<16xi32>
          scf.yield %add3A_870 : vector<16xi32>
        }
        %reduce_sum3A_583 = arith.constant true
        %reduce_sum3A_584 = vector.broadcast %reduce_sum3A_583 : i1 to vector<16xi1>
        %reduce_sum3A_585 = tpu.scan <sum>, %while3A_582 masked %reduce_sum3A_584 : vector<16xi32>, vector<16xi1> -> vector<16xi32>
        %reduce_sum3A_586 = vector.extract %reduce_sum3A_585[15] : i32 from vector<16xi32>
        %ge3A_587 = arith.cmpi sge, %reduce_sum3A_586, %sub3A_344 : i32
        %select_n3A_588 = arith.select %ge3A_587, %add3A_571, %select_n3A_569 : i32
        %add3A_589 = arith.constant 8192 : i32
        %add3A_590 = arith.addi %select_n3A_588, %add3A_589 : i32
        %while3A_591 = arith.constant 0 : i32
        %while3A_592 = arith.subi %select_n3A_396, %while3A_591 : i32
        %while3A_593 = arith.addi %while3A_591, %while3A_592 : i32
        %while3A_594 = arith.constant 1 : i32
        %while3A_595 = arith.divsi %while3A_592, %while3A_594 : i32
        %while3A_596 = arith.muli %while3A_595, %while3A_594 : i32
        %while3A_597 = arith.addi %while3A_591, %while3A_596 : i32
        %while3A_598 = arith.constant 1 : i32
        %while3A_599 = scf.for %while3A_861 = %while3A_591 to %while3A_597 step %while3A_598 iter_args(%while3A_862 = %broadcast_in_dim3A_1) -> (vector<16xi32>)  : i32 {
          %mul3A_863 = arith.constant 16 : i32
          %mul3A_864 = arith.muli %while3A_861, %mul3A_863 : i32
          %get3A_865 = arith.index_cast %mul3A_864 : i32 to index
          %get3A_866 = tpu.vector_load %arg7[%get3A_865] {strides = array<i32>} : memref<3120xi32, #tpu.memory_space<vmem>>, vector<16xi32>,
          %ge3A_867 = vector.broadcast %add3A_590 : i32 to vector<16xi32>
          %ge3A_868 = arith.cmpi sge, %get3A_866, %ge3A_867 : vector<16xi32>
          %convert_element_type3A_869 = arith.extui %ge3A_868 : vector<16xi1> to vector<16xi32>
          %add3A_870 = arith.addi %while3A_862, %convert_element_type3A_869 : vector<16xi32>
          scf.yield %add3A_870 : vector<16xi32>
        }
        %while3A_600 = arith.constant 1 : i32
        %while3A_601 = scf.for %while3A_861 = %while3A_597 to %while3A_593 step %while3A_600 iter_args(%while3A_862 = %while3A_599) -> (vector<16xi32>)  : i32 {
          %mul3A_863 = arith.constant 16 : i32
          %mul3A_864 = arith.muli %while3A_861, %mul3A_863 : i32
          %get3A_865 = arith.index_cast %mul3A_864 : i32 to index
          %get3A_866 = tpu.vector_load %arg7[%get3A_865] {strides = array<i32>} : memref<3120xi32, #tpu.memory_space<vmem>>, vector<16xi32>,
          %ge3A_867 = vector.broadcast %add3A_590 : i32 to vector<16xi32>
          %ge3A_868 = arith.cmpi sge, %get3A_866, %ge3A_867 : vector<16xi32>
          %convert_element_type3A_869 = arith.extui %ge3A_868 : vector<16xi1> to vector<16xi32>
          %add3A_870 = arith.addi %while3A_862, %convert_element_type3A_869 : vector<16xi32>
          scf.yield %add3A_870 : vector<16xi32>
        }
        %reduce_sum3A_602 = arith.constant true
        %reduce_sum3A_603 = vector.broadcast %reduce_sum3A_602 : i1 to vector<16xi1>
        %reduce_sum3A_604 = tpu.scan <sum>, %while3A_601 masked %reduce_sum3A_603 : vector<16xi32>, vector<16xi1> -> vector<16xi32>
        %reduce_sum3A_605 = vector.extract %reduce_sum3A_604[15] : i32 from vector<16xi32>
        %ge3A_606 = arith.cmpi sge, %reduce_sum3A_605, %sub3A_344 : i32
        %select_n3A_607 = arith.select %ge3A_606, %add3A_590, %select_n3A_588 : i32
        %add3A_608 = arith.constant 4096 : i32
        %add3A_609 = arith.addi %select_n3A_607, %add3A_608 : i32
        %while3A_610 = arith.constant 0 : i32
        %while3A_611 = arith.subi %select_n3A_396, %while3A_610 : i32
        %while3A_612 = arith.addi %while3A_610, %while3A_611 : i32
        %while3A_613 = arith.constant 1 : i32
        %while3A_614 = arith.divsi %while3A_611, %while3A_613 : i32
        %while3A_615 = arith.muli %while3A_614, %while3A_613 : i32
        %while3A_616 = arith.addi %while3A_610, %while3A_615 : i32
        %while3A_617 = arith.constant 1 : i32
        %while3A_618 = scf.for %while3A_861 = %while3A_610 to %while3A_616 step %while3A_617 iter_args(%while3A_862 = %broadcast_in_dim3A_1) -> (vector<16xi32>)  : i32 {
          %mul3A_863 = arith.constant 16 : i32
          %mul3A_864 = arith.muli %while3A_861, %mul3A_863 : i32
          %get3A_865 = arith.index_cast %mul3A_864 : i32 to index
          %get3A_866 = tpu.vector_load %arg7[%get3A_865] {strides = array<i32>} : memref<3120xi32, #tpu.memory_space<vmem>>, vector<16xi32>,
          %ge3A_867 = vector.broadcast %add3A_609 : i32 to vector<16xi32>
          %ge3A_868 = arith.cmpi sge, %get3A_866, %ge3A_867 : vector<16xi32>
          %convert_element_type3A_869 = arith.extui %ge3A_868 : vector<16xi1> to vector<16xi32>
          %add3A_870 = arith.addi %while3A_862, %convert_element_type3A_869 : vector<16xi32>
          scf.yield %add3A_870 : vector<16xi32>
        }
        %while3A_619 = arith.constant 1 : i32
        %while3A_620 = scf.for %while3A_861 = %while3A_616 to %while3A_612 step %while3A_619 iter_args(%while3A_862 = %while3A_618) -> (vector<16xi32>)  : i32 {
          %mul3A_863 = arith.constant 16 : i32
          %mul3A_864 = arith.muli %while3A_861, %mul3A_863 : i32
          %get3A_865 = arith.index_cast %mul3A_864 : i32 to index
          %get3A_866 = tpu.vector_load %arg7[%get3A_865] {strides = array<i32>} : memref<3120xi32, #tpu.memory_space<vmem>>, vector<16xi32>,
          %ge3A_867 = vector.broadcast %add3A_609 : i32 to vector<16xi32>
          %ge3A_868 = arith.cmpi sge, %get3A_866, %ge3A_867 : vector<16xi32>
          %convert_element_type3A_869 = arith.extui %ge3A_868 : vector<16xi1> to vector<16xi32>
          %add3A_870 = arith.addi %while3A_862, %convert_element_type3A_869 : vector<16xi32>
          scf.yield %add3A_870 : vector<16xi32>
        }
        %reduce_sum3A_621 = arith.constant true
        %reduce_sum3A_622 = vector.broadcast %reduce_sum3A_621 : i1 to vector<16xi1>
        %reduce_sum3A_623 = tpu.scan <sum>, %while3A_620 masked %reduce_sum3A_622 : vector<16xi32>, vector<16xi1> -> vector<16xi32>
        %reduce_sum3A_624 = vector.extract %reduce_sum3A_623[15] : i32 from vector<16xi32>
        %ge3A_625 = arith.cmpi sge, %reduce_sum3A_624, %sub3A_344 : i32
        %select_n3A_626 = arith.select %ge3A_625, %add3A_609, %select_n3A_607 : i32
        %add3A_627 = arith.constant 2048 : i32
        %add3A_628 = arith.addi %select_n3A_626, %add3A_627 : i32
        %while3A_629 = arith.constant 0 : i32
        %while3A_630 = arith.subi %select_n3A_396, %while3A_629 : i32
        %while3A_631 = arith.addi %while3A_629, %while3A_630 : i32
        %while3A_632 = arith.constant 1 : i32
        %while3A_633 = arith.divsi %while3A_630, %while3A_632 : i32
        %while3A_634 = arith.muli %while3A_633, %while3A_632 : i32
        %while3A_635 = arith.addi %while3A_629, %while3A_634 : i32
        %while3A_636 = arith.constant 1 : i32
        %while3A_637 = scf.for %while3A_861 = %while3A_629 to %while3A_635 step %while3A_636 iter_args(%while3A_862 = %broadcast_in_dim3A_1) -> (vector<16xi32>)  : i32 {
          %mul3A_863 = arith.constant 16 : i32
          %mul3A_864 = arith.muli %while3A_861, %mul3A_863 : i32
          %get3A_865 = arith.index_cast %mul3A_864 : i32 to index
          %get3A_866 = tpu.vector_load %arg7[%get3A_865] {strides = array<i32>} : memref<3120xi32, #tpu.memory_space<vmem>>, vector<16xi32>,
          %ge3A_867 = vector.broadcast %add3A_628 : i32 to vector<16xi32>
          %ge3A_868 = arith.cmpi sge, %get3A_866, %ge3A_867 : vector<16xi32>
          %convert_element_type3A_869 = arith.extui %ge3A_868 : vector<16xi1> to vector<16xi32>
          %add3A_870 = arith.addi %while3A_862, %convert_element_type3A_869 : vector<16xi32>
          scf.yield %add3A_870 : vector<16xi32>
        }
        %while3A_638 = arith.constant 1 : i32
        %while3A_639 = scf.for %while3A_861 = %while3A_635 to %while3A_631 step %while3A_638 iter_args(%while3A_862 = %while3A_637) -> (vector<16xi32>)  : i32 {
          %mul3A_863 = arith.constant 16 : i32
          %mul3A_864 = arith.muli %while3A_861, %mul3A_863 : i32
          %get3A_865 = arith.index_cast %mul3A_864 : i32 to index
          %get3A_866 = tpu.vector_load %arg7[%get3A_865] {strides = array<i32>} : memref<3120xi32, #tpu.memory_space<vmem>>, vector<16xi32>,
          %ge3A_867 = vector.broadcast %add3A_628 : i32 to vector<16xi32>
          %ge3A_868 = arith.cmpi sge, %get3A_866, %ge3A_867 : vector<16xi32>
          %convert_element_type3A_869 = arith.extui %ge3A_868 : vector<16xi1> to vector<16xi32>
          %add3A_870 = arith.addi %while3A_862, %convert_element_type3A_869 : vector<16xi32>
          scf.yield %add3A_870 : vector<16xi32>
        }
        %reduce_sum3A_640 = arith.constant true
        %reduce_sum3A_641 = vector.broadcast %reduce_sum3A_640 : i1 to vector<16xi1>
        %reduce_sum3A_642 = tpu.scan <sum>, %while3A_639 masked %reduce_sum3A_641 : vector<16xi32>, vector<16xi1> -> vector<16xi32>
        %reduce_sum3A_643 = vector.extract %reduce_sum3A_642[15] : i32 from vector<16xi32>
        %ge3A_644 = arith.cmpi sge, %reduce_sum3A_643, %sub3A_344 : i32
        %select_n3A_645 = arith.select %ge3A_644, %add3A_628, %select_n3A_626 : i32
        %add3A_646 = arith.constant 1024 : i32
        %add3A_647 = arith.addi %select_n3A_645, %add3A_646 : i32
        %while3A_648 = arith.constant 0 : i32
        %while3A_649 = arith.subi %select_n3A_396, %while3A_648 : i32
        %while3A_650 = arith.addi %while3A_648, %while3A_649 : i32
        %while3A_651 = arith.constant 1 : i32
        %while3A_652 = arith.divsi %while3A_649, %while3A_651 : i32
        %while3A_653 = arith.muli %while3A_652, %while3A_651 : i32
        %while3A_654 = arith.addi %while3A_648, %while3A_653 : i32
        %while3A_655 = arith.constant 1 : i32
        %while3A_656 = scf.for %while3A_861 = %while3A_648 to %while3A_654 step %while3A_655 iter_args(%while3A_862 = %broadcast_in_dim3A_1) -> (vector<16xi32>)  : i32 {
          %mul3A_863 = arith.constant 16 : i32
          %mul3A_864 = arith.muli %while3A_861, %mul3A_863 : i32
          %get3A_865 = arith.index_cast %mul3A_864 : i32 to index
          %get3A_866 = tpu.vector_load %arg7[%get3A_865] {strides = array<i32>} : memref<3120xi32, #tpu.memory_space<vmem>>, vector<16xi32>,
          %ge3A_867 = vector.broadcast %add3A_647 : i32 to vector<16xi32>
          %ge3A_868 = arith.cmpi sge, %get3A_866, %ge3A_867 : vector<16xi32>
          %convert_element_type3A_869 = arith.extui %ge3A_868 : vector<16xi1> to vector<16xi32>
          %add3A_870 = arith.addi %while3A_862, %convert_element_type3A_869 : vector<16xi32>
          scf.yield %add3A_870 : vector<16xi32>
        }
        %while3A_657 = arith.constant 1 : i32
        %while3A_658 = scf.for %while3A_861 = %while3A_654 to %while3A_650 step %while3A_657 iter_args(%while3A_862 = %while3A_656) -> (vector<16xi32>)  : i32 {
          %mul3A_863 = arith.constant 16 : i32
          %mul3A_864 = arith.muli %while3A_861, %mul3A_863 : i32
          %get3A_865 = arith.index_cast %mul3A_864 : i32 to index
          %get3A_866 = tpu.vector_load %arg7[%get3A_865] {strides = array<i32>} : memref<3120xi32, #tpu.memory_space<vmem>>, vector<16xi32>,
          %ge3A_867 = vector.broadcast %add3A_647 : i32 to vector<16xi32>
          %ge3A_868 = arith.cmpi sge, %get3A_866, %ge3A_867 : vector<16xi32>
          %convert_element_type3A_869 = arith.extui %ge3A_868 : vector<16xi1> to vector<16xi32>
          %add3A_870 = arith.addi %while3A_862, %convert_element_type3A_869 : vector<16xi32>
          scf.yield %add3A_870 : vector<16xi32>
        }
        %reduce_sum3A_659 = arith.constant true
        %reduce_sum3A_660 = vector.broadcast %reduce_sum3A_659 : i1 to vector<16xi1>
        %reduce_sum3A_661 = tpu.scan <sum>, %while3A_658 masked %reduce_sum3A_660 : vector<16xi32>, vector<16xi1> -> vector<16xi32>
        %reduce_sum3A_662 = vector.extract %reduce_sum3A_661[15] : i32 from vector<16xi32>
        %ge3A_663 = arith.cmpi sge, %reduce_sum3A_662, %sub3A_344 : i32
        %select_n3A_664 = arith.select %ge3A_663, %add3A_647, %select_n3A_645 : i32
        %add3A_665 = arith.constant 512 : i32
        %add3A_666 = arith.addi %select_n3A_664, %add3A_665 : i32
        %while3A_667 = arith.constant 0 : i32
        %while3A_668 = arith.subi %select_n3A_396, %while3A_667 : i32
        %while3A_669 = arith.addi %while3A_667, %while3A_668 : i32
        %while3A_670 = arith.constant 1 : i32
        %while3A_671 = arith.divsi %while3A_668, %while3A_670 : i32
        %while3A_672 = arith.muli %while3A_671, %while3A_670 : i32
        %while3A_673 = arith.addi %while3A_667, %while3A_672 : i32
        %while3A_674 = arith.constant 1 : i32
        %while3A_675 = scf.for %while3A_861 = %while3A_667 to %while3A_673 step %while3A_674 iter_args(%while3A_862 = %broadcast_in_dim3A_1) -> (vector<16xi32>)  : i32 {
          %mul3A_863 = arith.constant 16 : i32
          %mul3A_864 = arith.muli %while3A_861, %mul3A_863 : i32
          %get3A_865 = arith.index_cast %mul3A_864 : i32 to index
          %get3A_866 = tpu.vector_load %arg7[%get3A_865] {strides = array<i32>} : memref<3120xi32, #tpu.memory_space<vmem>>, vector<16xi32>,
          %ge3A_867 = vector.broadcast %add3A_666 : i32 to vector<16xi32>
          %ge3A_868 = arith.cmpi sge, %get3A_866, %ge3A_867 : vector<16xi32>
          %convert_element_type3A_869 = arith.extui %ge3A_868 : vector<16xi1> to vector<16xi32>
          %add3A_870 = arith.addi %while3A_862, %convert_element_type3A_869 : vector<16xi32>
          scf.yield %add3A_870 : vector<16xi32>
        }
        %while3A_676 = arith.constant 1 : i32
        %while3A_677 = scf.for %while3A_861 = %while3A_673 to %while3A_669 step %while3A_676 iter_args(%while3A_862 = %while3A_675) -> (vector<16xi32>)  : i32 {
          %mul3A_863 = arith.constant 16 : i32
          %mul3A_864 = arith.muli %while3A_861, %mul3A_863 : i32
          %get3A_865 = arith.index_cast %mul3A_864 : i32 to index
          %get3A_866 = tpu.vector_load %arg7[%get3A_865] {strides = array<i32>} : memref<3120xi32, #tpu.memory_space<vmem>>, vector<16xi32>,
          %ge3A_867 = vector.broadcast %add3A_666 : i32 to vector<16xi32>
          %ge3A_868 = arith.cmpi sge, %get3A_866, %ge3A_867 : vector<16xi32>
          %convert_element_type3A_869 = arith.extui %ge3A_868 : vector<16xi1> to vector<16xi32>
          %add3A_870 = arith.addi %while3A_862, %convert_element_type3A_869 : vector<16xi32>
          scf.yield %add3A_870 : vector<16xi32>
        }
        %reduce_sum3A_678 = arith.constant true
        %reduce_sum3A_679 = vector.broadcast %reduce_sum3A_678 : i1 to vector<16xi1>
        %reduce_sum3A_680 = tpu.scan <sum>, %while3A_677 masked %reduce_sum3A_679 : vector<16xi32>, vector<16xi1> -> vector<16xi32>
        %reduce_sum3A_681 = vector.extract %reduce_sum3A_680[15] : i32 from vector<16xi32>
        %ge3A_682 = arith.cmpi sge, %reduce_sum3A_681, %sub3A_344 : i32
        %select_n3A_683 = arith.select %ge3A_682, %add3A_666, %select_n3A_664 : i32
        %add3A_684 = arith.constant 256 : i32
        %add3A_685 = arith.addi %select_n3A_683, %add3A_684 : i32
        %while3A_686 = arith.constant 0 : i32
        %while3A_687 = arith.subi %select_n3A_396, %while3A_686 : i32
        %while3A_688 = arith.addi %while3A_686, %while3A_687 : i32
        %while3A_689 = arith.constant 1 : i32
        %while3A_690 = arith.divsi %while3A_687, %while3A_689 : i32
        %while3A_691 = arith.muli %while3A_690, %while3A_689 : i32
        %while3A_692 = arith.addi %while3A_686, %while3A_691 : i32
        %while3A_693 = arith.constant 1 : i32
        %while3A_694 = scf.for %while3A_861 = %while3A_686 to %while3A_692 step %while3A_693 iter_args(%while3A_862 = %broadcast_in_dim3A_1) -> (vector<16xi32>)  : i32 {
          %mul3A_863 = arith.constant 16 : i32
          %mul3A_864 = arith.muli %while3A_861, %mul3A_863 : i32
          %get3A_865 = arith.index_cast %mul3A_864 : i32 to index
          %get3A_866 = tpu.vector_load %arg7[%get3A_865] {strides = array<i32>} : memref<3120xi32, #tpu.memory_space<vmem>>, vector<16xi32>,
          %ge3A_867 = vector.broadcast %add3A_685 : i32 to vector<16xi32>
          %ge3A_868 = arith.cmpi sge, %get3A_866, %ge3A_867 : vector<16xi32>
          %convert_element_type3A_869 = arith.extui %ge3A_868 : vector<16xi1> to vector<16xi32>
          %add3A_870 = arith.addi %while3A_862, %convert_element_type3A_869 : vector<16xi32>
          scf.yield %add3A_870 : vector<16xi32>
        }
        %while3A_695 = arith.constant 1 : i32
        %while3A_696 = scf.for %while3A_861 = %while3A_692 to %while3A_688 step %while3A_695 iter_args(%while3A_862 = %while3A_694) -> (vector<16xi32>)  : i32 {
          %mul3A_863 = arith.constant 16 : i32
          %mul3A_864 = arith.muli %while3A_861, %mul3A_863 : i32
          %get3A_865 = arith.index_cast %mul3A_864 : i32 to index
          %get3A_866 = tpu.vector_load %arg7[%get3A_865] {strides = array<i32>} : memref<3120xi32, #tpu.memory_space<vmem>>, vector<16xi32>,
          %ge3A_867 = vector.broadcast %add3A_685 : i32 to vector<16xi32>
          %ge3A_868 = arith.cmpi sge, %get3A_866, %ge3A_867 : vector<16xi32>
          %convert_element_type3A_869 = arith.extui %ge3A_868 : vector<16xi1> to vector<16xi32>
          %add3A_870 = arith.addi %while3A_862, %convert_element_type3A_869 : vector<16xi32>
          scf.yield %add3A_870 : vector<16xi32>
        }
        %reduce_sum3A_697 = arith.constant true
        %reduce_sum3A_698 = vector.broadcast %reduce_sum3A_697 : i1 to vector<16xi1>
        %reduce_sum3A_699 = tpu.scan <sum>, %while3A_696 masked %reduce_sum3A_698 : vector<16xi32>, vector<16xi1> -> vector<16xi32>
        %reduce_sum3A_700 = vector.extract %reduce_sum3A_699[15] : i32 from vector<16xi32>
        %ge3A_701 = arith.cmpi sge, %reduce_sum3A_700, %sub3A_344 : i32
        %select_n3A_702 = arith.select %ge3A_701, %add3A_685, %select_n3A_683 : i32
        %add3A_703 = arith.constant 128 : i32
        %add3A_704 = arith.addi %select_n3A_702, %add3A_703 : i32
        %while3A_705 = arith.constant 0 : i32
        %while3A_706 = arith.subi %select_n3A_396, %while3A_705 : i32
        %while3A_707 = arith.addi %while3A_705, %while3A_706 : i32
        %while3A_708 = arith.constant 1 : i32
        %while3A_709 = arith.divsi %while3A_706, %while3A_708 : i32
        %while3A_710 = arith.muli %while3A_709, %while3A_708 : i32
        %while3A_711 = arith.addi %while3A_705, %while3A_710 : i32
        %while3A_712 = arith.constant 1 : i32
        %while3A_713 = scf.for %while3A_861 = %while3A_705 to %while3A_711 step %while3A_712 iter_args(%while3A_862 = %broadcast_in_dim3A_1) -> (vector<16xi32>)  : i32 {
          %mul3A_863 = arith.constant 16 : i32
          %mul3A_864 = arith.muli %while3A_861, %mul3A_863 : i32
          %get3A_865 = arith.index_cast %mul3A_864 : i32 to index
          %get3A_866 = tpu.vector_load %arg7[%get3A_865] {strides = array<i32>} : memref<3120xi32, #tpu.memory_space<vmem>>, vector<16xi32>,
          %ge3A_867 = vector.broadcast %add3A_704 : i32 to vector<16xi32>
          %ge3A_868 = arith.cmpi sge, %get3A_866, %ge3A_867 : vector<16xi32>
          %convert_element_type3A_869 = arith.extui %ge3A_868 : vector<16xi1> to vector<16xi32>
          %add3A_870 = arith.addi %while3A_862, %convert_element_type3A_869 : vector<16xi32>
          scf.yield %add3A_870 : vector<16xi32>
        }
        %while3A_714 = arith.constant 1 : i32
        %while3A_715 = scf.for %while3A_861 = %while3A_711 to %while3A_707 step %while3A_714 iter_args(%while3A_862 = %while3A_713) -> (vector<16xi32>)  : i32 {
          %mul3A_863 = arith.constant 16 : i32
          %mul3A_864 = arith.muli %while3A_861, %mul3A_863 : i32
          %get3A_865 = arith.index_cast %mul3A_864 : i32 to index
          %get3A_866 = tpu.vector_load %arg7[%get3A_865] {strides = array<i32>} : memref<3120xi32, #tpu.memory_space<vmem>>, vector<16xi32>,
          %ge3A_867 = vector.broadcast %add3A_704 : i32 to vector<16xi32>
          %ge3A_868 = arith.cmpi sge, %get3A_866, %ge3A_867 : vector<16xi32>
          %convert_element_type3A_869 = arith.extui %ge3A_868 : vector<16xi1> to vector<16xi32>
          %add3A_870 = arith.addi %while3A_862, %convert_element_type3A_869 : vector<16xi32>
          scf.yield %add3A_870 : vector<16xi32>
        }
        %reduce_sum3A_716 = arith.constant true
        %reduce_sum3A_717 = vector.broadcast %reduce_sum3A_716 : i1 to vector<16xi1>
        %reduce_sum3A_718 = tpu.scan <sum>, %while3A_715 masked %reduce_sum3A_717 : vector<16xi32>, vector<16xi1> -> vector<16xi32>
        %reduce_sum3A_719 = vector.extract %reduce_sum3A_718[15] : i32 from vector<16xi32>
        %ge3A_720 = arith.cmpi sge, %reduce_sum3A_719, %sub3A_344 : i32
        %select_n3A_721 = arith.select %ge3A_720, %add3A_704, %select_n3A_702 : i32
        %add3A_722 = arith.constant 64 : i32
        %add3A_723 = arith.addi %select_n3A_721, %add3A_722 : i32
        %while3A_724 = arith.constant 0 : i32
        %while3A_725 = arith.subi %select_n3A_396, %while3A_724 : i32
        %while3A_726 = arith.addi %while3A_724, %while3A_725 : i32
        %while3A_727 = arith.constant 1 : i32
        %while3A_728 = arith.divsi %while3A_725, %while3A_727 : i32
        %while3A_729 = arith.muli %while3A_728, %while3A_727 : i32
        %while3A_730 = arith.addi %while3A_724, %while3A_729 : i32
        %while3A_731 = arith.constant 1 : i32
        %while3A_732 = scf.for %while3A_861 = %while3A_724 to %while3A_730 step %while3A_731 iter_args(%while3A_862 = %broadcast_in_dim3A_1) -> (vector<16xi32>)  : i32 {
          %mul3A_863 = arith.constant 16 : i32
          %mul3A_864 = arith.muli %while3A_861, %mul3A_863 : i32
          %get3A_865 = arith.index_cast %mul3A_864 : i32 to index
          %get3A_866 = tpu.vector_load %arg7[%get3A_865] {strides = array<i32>} : memref<3120xi32, #tpu.memory_space<vmem>>, vector<16xi32>,
          %ge3A_867 = vector.broadcast %add3A_723 : i32 to vector<16xi32>
          %ge3A_868 = arith.cmpi sge, %get3A_866, %ge3A_867 : vector<16xi32>
          %convert_element_type3A_869 = arith.extui %ge3A_868 : vector<16xi1> to vector<16xi32>
          %add3A_870 = arith.addi %while3A_862, %convert_element_type3A_869 : vector<16xi32>
          scf.yield %add3A_870 : vector<16xi32>
        }
        %while3A_733 = arith.constant 1 : i32
        %while3A_734 = scf.for %while3A_861 = %while3A_730 to %while3A_726 step %while3A_733 iter_args(%while3A_862 = %while3A_732) -> (vector<16xi32>)  : i32 {
          %mul3A_863 = arith.constant 16 : i32
          %mul3A_864 = arith.muli %while3A_861, %mul3A_863 : i32
          %get3A_865 = arith.index_cast %mul3A_864 : i32 to index
          %get3A_866 = tpu.vector_load %arg7[%get3A_865] {strides = array<i32>} : memref<3120xi32, #tpu.memory_space<vmem>>, vector<16xi32>,
          %ge3A_867 = vector.broadcast %add3A_723 : i32 to vector<16xi32>
          %ge3A_868 = arith.cmpi sge, %get3A_866, %ge3A_867 : vector<16xi32>
          %convert_element_type3A_869 = arith.extui %ge3A_868 : vector<16xi1> to vector<16xi32>
          %add3A_870 = arith.addi %while3A_862, %convert_element_type3A_869 : vector<16xi32>
          scf.yield %add3A_870 : vector<16xi32>
        }
        %reduce_sum3A_735 = arith.constant true
        %reduce_sum3A_736 = vector.broadcast %reduce_sum3A_735 : i1 to vector<16xi1>
        %reduce_sum3A_737 = tpu.scan <sum>, %while3A_734 masked %reduce_sum3A_736 : vector<16xi32>, vector<16xi1> -> vector<16xi32>
        %reduce_sum3A_738 = vector.extract %reduce_sum3A_737[15] : i32 from vector<16xi32>
        %ge3A_739 = arith.cmpi sge, %reduce_sum3A_738, %sub3A_344 : i32
        %select_n3A_740 = arith.select %ge3A_739, %add3A_723, %select_n3A_721 : i32
        %add3A_741 = arith.constant 32 : i32
        %add3A_742 = arith.addi %select_n3A_740, %add3A_741 : i32
        %while3A_743 = arith.constant 0 : i32
        %while3A_744 = arith.subi %select_n3A_396, %while3A_743 : i32
        %while3A_745 = arith.addi %while3A_743, %while3A_744 : i32
        %while3A_746 = arith.constant 1 : i32
        %while3A_747 = arith.divsi %while3A_744, %while3A_746 : i32
        %while3A_748 = arith.muli %while3A_747, %while3A_746 : i32
        %while3A_749 = arith.addi %while3A_743, %while3A_748 : i32
        %while3A_750 = arith.constant 1 : i32
        %while3A_751 = scf.for %while3A_861 = %while3A_743 to %while3A_749 step %while3A_750 iter_args(%while3A_862 = %broadcast_in_dim3A_1) -> (vector<16xi32>)  : i32 {
          %mul3A_863 = arith.constant 16 : i32
          %mul3A_864 = arith.muli %while3A_861, %mul3A_863 : i32
          %get3A_865 = arith.index_cast %mul3A_864 : i32 to index
          %get3A_866 = tpu.vector_load %arg7[%get3A_865] {strides = array<i32>} : memref<3120xi32, #tpu.memory_space<vmem>>, vector<16xi32>,
          %ge3A_867 = vector.broadcast %add3A_742 : i32 to vector<16xi32>
          %ge3A_868 = arith.cmpi sge, %get3A_866, %ge3A_867 : vector<16xi32>
          %convert_element_type3A_869 = arith.extui %ge3A_868 : vector<16xi1> to vector<16xi32>
          %add3A_870 = arith.addi %while3A_862, %convert_element_type3A_869 : vector<16xi32>
          scf.yield %add3A_870 : vector<16xi32>
        }
        %while3A_752 = arith.constant 1 : i32
        %while3A_753 = scf.for %while3A_861 = %while3A_749 to %while3A_745 step %while3A_752 iter_args(%while3A_862 = %while3A_751) -> (vector<16xi32>)  : i32 {
          %mul3A_863 = arith.constant 16 : i32
          %mul3A_864 = arith.muli %while3A_861, %mul3A_863 : i32
          %get3A_865 = arith.index_cast %mul3A_864 : i32 to index
          %get3A_866 = tpu.vector_load %arg7[%get3A_865] {strides = array<i32>} : memref<3120xi32, #tpu.memory_space<vmem>>, vector<16xi32>,
          %ge3A_867 = vector.broadcast %add3A_742 : i32 to vector<16xi32>
          %ge3A_868 = arith.cmpi sge, %get3A_866, %ge3A_867 : vector<16xi32>
          %convert_element_type3A_869 = arith.extui %ge3A_868 : vector<16xi1> to vector<16xi32>
          %add3A_870 = arith.addi %while3A_862, %convert_element_type3A_869 : vector<16xi32>
          scf.yield %add3A_870 : vector<16xi32>
        }
        %reduce_sum3A_754 = arith.constant true
        %reduce_sum3A_755 = vector.broadcast %reduce_sum3A_754 : i1 to vector<16xi1>
        %reduce_sum3A_756 = tpu.scan <sum>, %while3A_753 masked %reduce_sum3A_755 : vector<16xi32>, vector<16xi1> -> vector<16xi32>
        %reduce_sum3A_757 = vector.extract %reduce_sum3A_756[15] : i32 from vector<16xi32>
        %ge3A_758 = arith.cmpi sge, %reduce_sum3A_757, %sub3A_344 : i32
        %select_n3A_759 = arith.select %ge3A_758, %add3A_742, %select_n3A_740 : i32
        %add3A_760 = arith.constant 16 : i32
        %add3A_761 = arith.addi %select_n3A_759, %add3A_760 : i32
        %while3A_762 = arith.constant 0 : i32
        %while3A_763 = arith.subi %select_n3A_396, %while3A_762 : i32
        %while3A_764 = arith.addi %while3A_762, %while3A_763 : i32
        %while3A_765 = arith.constant 1 : i32
        %while3A_766 = arith.divsi %while3A_763, %while3A_765 : i32
        %while3A_767 = arith.muli %while3A_766, %while3A_765 : i32
        %while3A_768 = arith.addi %while3A_762, %while3A_767 : i32
        %while3A_769 = arith.constant 1 : i32
        %while3A_770 = scf.for %while3A_861 = %while3A_762 to %while3A_768 step %while3A_769 iter_args(%while3A_862 = %broadcast_in_dim3A_1) -> (vector<16xi32>)  : i32 {
          %mul3A_863 = arith.constant 16 : i32
          %mul3A_864 = arith.muli %while3A_861, %mul3A_863 : i32
          %get3A_865 = arith.index_cast %mul3A_864 : i32 to index
          %get3A_866 = tpu.vector_load %arg7[%get3A_865] {strides = array<i32>} : memref<3120xi32, #tpu.memory_space<vmem>>, vector<16xi32>,
          %ge3A_867 = vector.broadcast %add3A_761 : i32 to vector<16xi32>
          %ge3A_868 = arith.cmpi sge, %get3A_866, %ge3A_867 : vector<16xi32>
          %convert_element_type3A_869 = arith.extui %ge3A_868 : vector<16xi1> to vector<16xi32>
          %add3A_870 = arith.addi %while3A_862, %convert_element_type3A_869 : vector<16xi32>
          scf.yield %add3A_870 : vector<16xi32>
        }
        %while3A_771 = arith.constant 1 : i32
        %while3A_772 = scf.for %while3A_861 = %while3A_768 to %while3A_764 step %while3A_771 iter_args(%while3A_862 = %while3A_770) -> (vector<16xi32>)  : i32 {
          %mul3A_863 = arith.constant 16 : i32
          %mul3A_864 = arith.muli %while3A_861, %mul3A_863 : i32
          %get3A_865 = arith.index_cast %mul3A_864 : i32 to index
          %get3A_866 = tpu.vector_load %arg7[%get3A_865] {strides = array<i32>} : memref<3120xi32, #tpu.memory_space<vmem>>, vector<16xi32>,
          %ge3A_867 = vector.broadcast %add3A_761 : i32 to vector<16xi32>
          %ge3A_868 = arith.cmpi sge, %get3A_866, %ge3A_867 : vector<16xi32>
          %convert_element_type3A_869 = arith.extui %ge3A_868 : vector<16xi1> to vector<16xi32>
          %add3A_870 = arith.addi %while3A_862, %convert_element_type3A_869 : vector<16xi32>
          scf.yield %add3A_870 : vector<16xi32>
        }
        %reduce_sum3A_773 = arith.constant true
        %reduce_sum3A_774 = vector.broadcast %reduce_sum3A_773 : i1 to vector<16xi1>
        %reduce_sum3A_775 = tpu.scan <sum>, %while3A_772 masked %reduce_sum3A_774 : vector<16xi32>, vector<16xi1> -> vector<16xi32>
        %reduce_sum3A_776 = vector.extract %reduce_sum3A_775[15] : i32 from vector<16xi32>
        %ge3A_777 = arith.cmpi sge, %reduce_sum3A_776, %sub3A_344 : i32
        %select_n3A_778 = arith.select %ge3A_777, %add3A_761, %select_n3A_759 : i32
        %add3A_779 = arith.constant 8 : i32
        %add3A_780 = arith.addi %select_n3A_778, %add3A_779 : i32
        %while3A_781 = arith.constant 0 : i32
        %while3A_782 = arith.subi %select_n3A_396, %while3A_781 : i32
        %while3A_783 = arith.addi %while3A_781, %while3A_782 : i32
        %while3A_784 = arith.constant 1 : i32
        %while3A_785 = arith.divsi %while3A_782, %while3A_784 : i32
        %while3A_786 = arith.muli %while3A_785, %while3A_784 : i32
        %while3A_787 = arith.addi %while3A_781, %while3A_786 : i32
        %while3A_788 = arith.constant 1 : i32
        %while3A_789 = scf.for %while3A_861 = %while3A_781 to %while3A_787 step %while3A_788 iter_args(%while3A_862 = %broadcast_in_dim3A_1) -> (vector<16xi32>)  : i32 {
          %mul3A_863 = arith.constant 16 : i32
          %mul3A_864 = arith.muli %while3A_861, %mul3A_863 : i32
          %get3A_865 = arith.index_cast %mul3A_864 : i32 to index
          %get3A_866 = tpu.vector_load %arg7[%get3A_865] {strides = array<i32>} : memref<3120xi32, #tpu.memory_space<vmem>>, vector<16xi32>,
          %ge3A_867 = vector.broadcast %add3A_780 : i32 to vector<16xi32>
          %ge3A_868 = arith.cmpi sge, %get3A_866, %ge3A_867 : vector<16xi32>
          %convert_element_type3A_869 = arith.extui %ge3A_868 : vector<16xi1> to vector<16xi32>
          %add3A_870 = arith.addi %while3A_862, %convert_element_type3A_869 : vector<16xi32>
          scf.yield %add3A_870 : vector<16xi32>
        }
        %while3A_790 = arith.constant 1 : i32
        %while3A_791 = scf.for %while3A_861 = %while3A_787 to %while3A_783 step %while3A_790 iter_args(%while3A_862 = %while3A_789) -> (vector<16xi32>)  : i32 {
          %mul3A_863 = arith.constant 16 : i32
          %mul3A_864 = arith.muli %while3A_861, %mul3A_863 : i32
          %get3A_865 = arith.index_cast %mul3A_864 : i32 to index
          %get3A_866 = tpu.vector_load %arg7[%get3A_865] {strides = array<i32>} : memref<3120xi32, #tpu.memory_space<vmem>>, vector<16xi32>,
          %ge3A_867 = vector.broadcast %add3A_780 : i32 to vector<16xi32>
          %ge3A_868 = arith.cmpi sge, %get3A_866, %ge3A_867 : vector<16xi32>
          %convert_element_type3A_869 = arith.extui %ge3A_868 : vector<16xi1> to vector<16xi32>
          %add3A_870 = arith.addi %while3A_862, %convert_element_type3A_869 : vector<16xi32>
          scf.yield %add3A_870 : vector<16xi32>
        }
        %reduce_sum3A_792 = arith.constant true
        %reduce_sum3A_793 = vector.broadcast %reduce_sum3A_792 : i1 to vector<16xi1>
        %reduce_sum3A_794 = tpu.scan <sum>, %while3A_791 masked %reduce_sum3A_793 : vector<16xi32>, vector<16xi1> -> vector<16xi32>
        %reduce_sum3A_795 = vector.extract %reduce_sum3A_794[15] : i32 from vector<16xi32>
        %ge3A_796 = arith.cmpi sge, %reduce_sum3A_795, %sub3A_344 : i32
        %select_n3A_797 = arith.select %ge3A_796, %add3A_780, %select_n3A_778 : i32
        %add3A_798 = arith.constant 4 : i32
        %add3A_799 = arith.addi %select_n3A_797, %add3A_798 : i32
        %while3A_800 = arith.constant 0 : i32
        %while3A_801 = arith.subi %select_n3A_396, %while3A_800 : i32
        %while3A_802 = arith.addi %while3A_800, %while3A_801 : i32
        %while3A_803 = arith.constant 1 : i32
        %while3A_804 = arith.divsi %while3A_801, %while3A_803 : i32
        %while3A_805 = arith.muli %while3A_804, %while3A_803 : i32
        %while3A_806 = arith.addi %while3A_800, %while3A_805 : i32
        %while3A_807 = arith.constant 1 : i32
        %while3A_808 = scf.for %while3A_861 = %while3A_800 to %while3A_806 step %while3A_807 iter_args(%while3A_862 = %broadcast_in_dim3A_1) -> (vector<16xi32>)  : i32 {
          %mul3A_863 = arith.constant 16 : i32
          %mul3A_864 = arith.muli %while3A_861, %mul3A_863 : i32
          %get3A_865 = arith.index_cast %mul3A_864 : i32 to index
          %get3A_866 = tpu.vector_load %arg7[%get3A_865] {strides = array<i32>} : memref<3120xi32, #tpu.memory_space<vmem>>, vector<16xi32>,
          %ge3A_867 = vector.broadcast %add3A_799 : i32 to vector<16xi32>
          %ge3A_868 = arith.cmpi sge, %get3A_866, %ge3A_867 : vector<16xi32>
          %convert_element_type3A_869 = arith.extui %ge3A_868 : vector<16xi1> to vector<16xi32>
          %add3A_870 = arith.addi %while3A_862, %convert_element_type3A_869 : vector<16xi32>
          scf.yield %add3A_870 : vector<16xi32>
        }
        %while3A_809 = arith.constant 1 : i32
        %while3A_810 = scf.for %while3A_861 = %while3A_806 to %while3A_802 step %while3A_809 iter_args(%while3A_862 = %while3A_808) -> (vector<16xi32>)  : i32 {
          %mul3A_863 = arith.constant 16 : i32
          %mul3A_864 = arith.muli %while3A_861, %mul3A_863 : i32
          %get3A_865 = arith.index_cast %mul3A_864 : i32 to index
          %get3A_866 = tpu.vector_load %arg7[%get3A_865] {strides = array<i32>} : memref<3120xi32, #tpu.memory_space<vmem>>, vector<16xi32>,
          %ge3A_867 = vector.broadcast %add3A_799 : i32 to vector<16xi32>
          %ge3A_868 = arith.cmpi sge, %get3A_866, %ge3A_867 : vector<16xi32>
          %convert_element_type3A_869 = arith.extui %ge3A_868 : vector<16xi1> to vector<16xi32>
          %add3A_870 = arith.addi %while3A_862, %convert_element_type3A_869 : vector<16xi32>
          scf.yield %add3A_870 : vector<16xi32>
        }
        %reduce_sum3A_811 = arith.constant true
        %reduce_sum3A_812 = vector.broadcast %reduce_sum3A_811 : i1 to vector<16xi1>
        %reduce_sum3A_813 = tpu.scan <sum>, %while3A_810 masked %reduce_sum3A_812 : vector<16xi32>, vector<16xi1> -> vector<16xi32>
        %reduce_sum3A_814 = vector.extract %reduce_sum3A_813[15] : i32 from vector<16xi32>
        %ge3A_815 = arith.cmpi sge, %reduce_sum3A_814, %sub3A_344 : i32
        %select_n3A_816 = arith.select %ge3A_815, %add3A_799, %select_n3A_797 : i32
        %add3A_817 = arith.constant 2 : i32
        %add3A_818 = arith.addi %select_n3A_816, %add3A_817 : i32
        %while3A_819 = arith.constant 0 : i32
        %while3A_820 = arith.subi %select_n3A_396, %while3A_819 : i32
        %while3A_821 = arith.addi %while3A_819, %while3A_820 : i32
        %while3A_822 = arith.constant 1 : i32
        %while3A_823 = arith.divsi %while3A_820, %while3A_822 : i32
        %while3A_824 = arith.muli %while3A_823, %while3A_822 : i32
        %while3A_825 = arith.addi %while3A_819, %while3A_824 : i32
        %while3A_826 = arith.constant 1 : i32
        %while3A_827 = scf.for %while3A_861 = %while3A_819 to %while3A_825 step %while3A_826 iter_args(%while3A_862 = %broadcast_in_dim3A_1) -> (vector<16xi32>)  : i32 {
          %mul3A_863 = arith.constant 16 : i32
          %mul3A_864 = arith.muli %while3A_861, %mul3A_863 : i32
          %get3A_865 = arith.index_cast %mul3A_864 : i32 to index
          %get3A_866 = tpu.vector_load %arg7[%get3A_865] {strides = array<i32>} : memref<3120xi32, #tpu.memory_space<vmem>>, vector<16xi32>,
          %ge3A_867 = vector.broadcast %add3A_818 : i32 to vector<16xi32>
          %ge3A_868 = arith.cmpi sge, %get3A_866, %ge3A_867 : vector<16xi32>
          %convert_element_type3A_869 = arith.extui %ge3A_868 : vector<16xi1> to vector<16xi32>
          %add3A_870 = arith.addi %while3A_862, %convert_element_type3A_869 : vector<16xi32>
          scf.yield %add3A_870 : vector<16xi32>
        }
        %while3A_828 = arith.constant 1 : i32
        %while3A_829 = scf.for %while3A_861 = %while3A_825 to %while3A_821 step %while3A_828 iter_args(%while3A_862 = %while3A_827) -> (vector<16xi32>)  : i32 {
          %mul3A_863 = arith.constant 16 : i32
          %mul3A_864 = arith.muli %while3A_861, %mul3A_863 : i32
          %get3A_865 = arith.index_cast %mul3A_864 : i32 to index
          %get3A_866 = tpu.vector_load %arg7[%get3A_865] {strides = array<i32>} : memref<3120xi32, #tpu.memory_space<vmem>>, vector<16xi32>,
          %ge3A_867 = vector.broadcast %add3A_818 : i32 to vector<16xi32>
          %ge3A_868 = arith.cmpi sge, %get3A_866, %ge3A_867 : vector<16xi32>
          %convert_element_type3A_869 = arith.extui %ge3A_868 : vector<16xi1> to vector<16xi32>
          %add3A_870 = arith.addi %while3A_862, %convert_element_type3A_869 : vector<16xi32>
          scf.yield %add3A_870 : vector<16xi32>
        }
        %reduce_sum3A_830 = arith.constant true
        %reduce_sum3A_831 = vector.broadcast %reduce_sum3A_830 : i1 to vector<16xi1>
        %reduce_sum3A_832 = tpu.scan <sum>, %while3A_829 masked %reduce_sum3A_831 : vector<16xi32>, vector<16xi1> -> vector<16xi32>
        %reduce_sum3A_833 = vector.extract %reduce_sum3A_832[15] : i32 from vector<16xi32>
        %ge3A_834 = arith.cmpi sge, %reduce_sum3A_833, %sub3A_344 : i32
        %select_n3A_835 = arith.select %ge3A_834, %add3A_818, %select_n3A_816 : i32
        %add3A_836 = arith.constant 1 : i32
        %add3A_837 = arith.addi %select_n3A_835, %add3A_836 : i32
        %while3A_838 = arith.constant 0 : i32
        %while3A_839 = arith.subi %select_n3A_396, %while3A_838 : i32
        %while3A_840 = arith.addi %while3A_838, %while3A_839 : i32
        %while3A_841 = arith.constant 1 : i32
        %while3A_842 = arith.divsi %while3A_839, %while3A_841 : i32
        %while3A_843 = arith.muli %while3A_842, %while3A_841 : i32
        %while3A_844 = arith.addi %while3A_838, %while3A_843 : i32
        %while3A_845 = arith.constant 1 : i32
        %while3A_846 = scf.for %while3A_861 = %while3A_838 to %while3A_844 step %while3A_845 iter_args(%while3A_862 = %broadcast_in_dim3A_1) -> (vector<16xi32>)  : i32 {
          %mul3A_863 = arith.constant 16 : i32
          %mul3A_864 = arith.muli %while3A_861, %mul3A_863 : i32
          %get3A_865 = arith.index_cast %mul3A_864 : i32 to index
          %get3A_866 = tpu.vector_load %arg7[%get3A_865] {strides = array<i32>} : memref<3120xi32, #tpu.memory_space<vmem>>, vector<16xi32>,
          %ge3A_867 = vector.broadcast %add3A_837 : i32 to vector<16xi32>
          %ge3A_868 = arith.cmpi sge, %get3A_866, %ge3A_867 : vector<16xi32>
          %convert_element_type3A_869 = arith.extui %ge3A_868 : vector<16xi1> to vector<16xi32>
          %add3A_870 = arith.addi %while3A_862, %convert_element_type3A_869 : vector<16xi32>
          scf.yield %add3A_870 : vector<16xi32>
        }
        %while3A_847 = arith.constant 1 : i32
        %while3A_848 = scf.for %while3A_861 = %while3A_844 to %while3A_840 step %while3A_847 iter_args(%while3A_862 = %while3A_846) -> (vector<16xi32>)  : i32 {
          %mul3A_863 = arith.constant 16 : i32
          %mul3A_864 = arith.muli %while3A_861, %mul3A_863 : i32
          %get3A_865 = arith.index_cast %mul3A_864 : i32 to index
          %get3A_866 = tpu.vector_load %arg7[%get3A_865] {strides = array<i32>} : memref<3120xi32, #tpu.memory_space<vmem>>, vector<16xi32>,
          %ge3A_867 = vector.broadcast %add3A_837 : i32 to vector<16xi32>
          %ge3A_868 = arith.cmpi sge, %get3A_866, %ge3A_867 : vector<16xi32>
          %convert_element_type3A_869 = arith.extui %ge3A_868 : vector<16xi1> to vector<16xi32>
          %add3A_870 = arith.addi %while3A_862, %convert_element_type3A_869 : vector<16xi32>
          scf.yield %add3A_870 : vector<16xi32>
        }
        %reduce_sum3A_849 = arith.constant true
        %reduce_sum3A_850 = vector.broadcast %reduce_sum3A_849 : i1 to vector<16xi1>
        %reduce_sum3A_851 = tpu.scan <sum>, %while3A_848 masked %reduce_sum3A_850 : vector<16xi32>, vector<16xi1> -> vector<16xi32>
        %reduce_sum3A_852 = vector.extract %reduce_sum3A_851[15] : i32 from vector<16xi32>
        %ge3A_853 = arith.cmpi sge, %reduce_sum3A_852, %sub3A_344 : i32
        %select_n3A_854 = arith.select %ge3A_853, %add3A_837, %select_n3A_835 : i32
        %add3A_855 = vector.broadcast %select_n3A_854 : i32 to vector<16xi32>
        %add3A_856 = arith.addi %broadcast_in_dim3A_1, %add3A_855 : vector<16xi32>
        %mul3A_857 = arith.constant 16 : i32
        %mul3A_858 = arith.muli %scan3A_36, %mul3A_857 : i32
        %swap3A = arith.index_cast %mul3A_858 : i32 to index
        %swap3A_859 = tpu.vector_load %arg8[%swap3A] {strides = array<i32>} : memref<128xi32, #tpu.memory_space<vmem>>, vector<16xi32>,
        tpu.vector_store %arg8[%swap3A], %add3A_856 {strides = array<i32>} : memref<128xi32, #tpu.memory_space<vmem>>, vector<16xi32>,
        %scan3A_860 = arith.constant 0 : i32
        scf.yield %scan3A_860 : i32
      }
      %scan3A_32 = arith.constant 8 : i32
      %mul3A_33 = arith.constant 16 : i32
      %mul3A_34 = arith.muli %mul3A_23, %mul3A_33 : i32
      "tpu.region"() ({
        %run_scoped3A = tpu.sem_alloc : memref<!tpu.dma_semaphore, #tpu.memory_space<semaphore_mem>>
        %dma_start3A = tpu.memref_slice %arg3[%mul3A_34] : memref<524288xi32, #tpu.memory_space<hbm>> -> memref<128xi32, #tpu.memory_space<hbm>>
        %dma_start3A_36 = tpu.memref_slice %arg3[%mul3A_34] : memref<524288xi32, #tpu.memory_space<hbm>> -> memref<128xi32, #tpu.memory_space<hbm>>
        tpu.enqueue_dma source(%arg8 : memref<128xi32, #tpu.memory_space<vmem>>) target(%dma_start3A_36 : memref<128xi32, #tpu.memory_space<hbm>>) target_semaphore(%run_scoped3A : memref<!tpu.dma_semaphore, #tpu.memory_space<semaphore_mem>>)
        %dma_wait3A = tpu.memref_slice %arg3[%mul3A_34] : memref<524288xi32, #tpu.memory_space<hbm>> -> memref<128xi32, #tpu.memory_space<hbm>>
        %dma_wait3A_37 = tpu.memref_slice %arg3[%mul3A_34] : memref<524288xi32, #tpu.memory_space<hbm>> -> memref<128xi32, #tpu.memory_space<hbm>>
        tpu.wait_dma2 semaphore(%run_scoped3A : memref<!tpu.dma_semaphore, #tpu.memory_space<semaphore_mem>>) src(%arg8 : memref<128xi32, #tpu.memory_space<vmem>>) dst(%dma_wait3A_37 : memref<128xi32, #tpu.memory_space<hbm>>)
        tpu.yield
      }) : () -> ()
      %scan3A_35 = arith.constant 0 : i32
      scf.yield %scan3A_35 : i32
    }
    %scan3A_16 = arith.constant 128 : i32
    return
  }
}

module attributes {stable_mosaic.version = 14 : i64} {
  func.func @_encode_body(%arg0: i32, %arg1: memref<256x768xf32, #tpu.memory_space<vmem>>, %arg2: memref<3072x768xf32, #tpu.memory_space<vmem>>, %arg3: memref<1x3072xf32, #tpu.memory_space<vmem>>, %arg4: memref<256x3072xf32, #tpu.memory_space<vmem>>) attributes {dimension_semantics = [#tpu.dimension_semantics<arbitrary>], iteration_bounds = array<i64: 128>, scalar_prefetch = 0 : i64, scratch_operands = 0 : i64, tpu.core_type = #tpu.core_type<tc>, window_params = [{transform_indices = @transform_0, window_bounds = array<i64: 256, 768>}, {pipeline_mode = #tpu.pipeline_mode<synchronous>, transform_indices = @transform_1, window_bounds = array<i64: 3072, 768>}, {pipeline_mode = #tpu.pipeline_mode<synchronous>, transform_indices = @transform_2, window_bounds = array<i64: 1, 3072>}, {transform_indices = @transform_3, window_bounds = array<i64: 256, 3072>}]} {
    %get3A = arith.constant 0 : index
    %get3A_0 = arith.constant 0 : index
    %get3A_1 = vector.load %arg1[%get3A, %get3A_0] : memref<256x768xf32, #tpu.memory_space<vmem>>, vector<256x768xf32>
    %get3A_2 = arith.constant 0 : index
    %get3A_3 = arith.constant 0 : index
    %get3A_4 = vector.load %arg2[%get3A_2, %get3A_3] : memref<3072x768xf32, #tpu.memory_space<vmem>>, vector<3072x768xf32>
    %dot_general3A = arith.constant dense<0.000000e+00> : vector<256x3072xf32>
    %dot_general3A_5 = tpu.matmul %get3A_1, %get3A_4, %dot_general3A {dimension_numbers = #tpu.dot_dimension_numbers<[1], [1], [0], [0], [0, 0, 1, 0], [], []>, transpose_lhs_hint = false} : vector<256x768xf32>, vector<3072x768xf32>, vector<256x3072xf32> -> vector<256x3072xf32>
    %get3A_6 = arith.constant 0 : index
    %get3A_7 = arith.constant 0 : index
    %get3A_8 = vector.load %arg3[%get3A_6, %get3A_7] : memref<1x3072xf32, #tpu.memory_space<vmem>>, vector<1x3072xf32>
    %add3A = vector.broadcast %get3A_8 : vector<1x3072xf32> to vector<256x3072xf32>
    %add3A_9 = arith.addf %dot_general3A_5, %add3A : vector<256x3072xf32>
    %swap3A = arith.constant 0 : index
    %swap3A_10 = arith.constant 0 : index
    %swap3A_11 = vector.load %arg4[%swap3A, %swap3A_10] : memref<256x3072xf32, #tpu.memory_space<vmem>>, vector<256x3072xf32>
    tpu.vector_store %arg4[%swap3A, %swap3A_10], %add3A_9 {strides = array<i32>} : memref<256x3072xf32, #tpu.memory_space<vmem>>, vector<256x3072xf32>,
    return
  }
  func.func @transform_0(%arg0: i32) -> (i32, i32) {
    %c0_i32 = arith.constant 0 : i32
    %c0_i32_0 = arith.constant 0 : i32
    return %arg0, %c0_i32 : i32, i32
  }
  func.func @transform_1(%arg0: i32) -> (i32, i32) {
    %c0_i32 = arith.constant 0 : i32
    %c0_i32_0 = arith.constant 0 : i32
    %c0_i32_1 = arith.constant 0 : i32
    return %c0_i32, %c0_i32_0 : i32, i32
  }
  func.func @transform_2(%arg0: i32) -> (i32, i32) {
    %c0_i32 = arith.constant 0 : i32
    %c0_i32_0 = arith.constant 0 : i32
    %c0_i32_1 = arith.constant 0 : i32
    return %c0_i32, %c0_i32_0 : i32, i32
  }
  func.func @transform_3(%arg0: i32) -> (i32, i32) {
    %c0_i32 = arith.constant 0 : i32
    %c0_i32_0 = arith.constant 0 : i32
    return %arg0, %c0_i32 : i32, i32
  }
}

module attributes {stable_mosaic.version = 14 : i64} {
  func.func @_decode_body(%arg0: i32, %arg1: memref<256x3072xf32, #tpu.memory_space<vmem>>, %arg2: memref<256x1xi32, #tpu.memory_space<vmem>>, %arg3: memref<768x3072xf32, #tpu.memory_space<vmem>>, %arg4: memref<1x768xf32, #tpu.memory_space<vmem>>, %arg5: memref<256x3072xf32, #tpu.memory_space<vmem>>, %arg6: memref<256x768xf32, #tpu.memory_space<vmem>>) attributes {dimension_semantics = [#tpu.dimension_semantics<arbitrary>], iteration_bounds = array<i64: 128>, scalar_prefetch = 0 : i64, scratch_operands = 0 : i64, tpu.core_type = #tpu.core_type<tc>, window_params = [{transform_indices = @transform_0, window_bounds = array<i64: 256, 3072>}, {transform_indices = @transform_1, window_bounds = array<i64: 256, 1>}, {pipeline_mode = #tpu.pipeline_mode<synchronous>, transform_indices = @transform_2, window_bounds = array<i64: 768, 3072>}, {pipeline_mode = #tpu.pipeline_mode<synchronous>, transform_indices = @transform_3, window_bounds = array<i64: 1, 768>}, {transform_indices = @transform_4, window_bounds = array<i64: 256, 3072>}, {transform_indices = @transform_5, window_bounds = array<i64: 256, 768>}]} {
    %get3A = arith.constant 0 : index
    %get3A_0 = arith.constant 0 : index
    %get3A_1 = vector.load %arg1[%get3A, %get3A_0] : memref<256x3072xf32, #tpu.memory_space<vmem>>, vector<256x3072xf32>
    %bitcast_convert_type3A = tpu.bitcast %get3A_1 : vector<256x3072xf32> -> vector<256x3072xi32>
    %ge3A = arith.constant 0 : i32
    %ge3A_2 = vector.broadcast %ge3A : i32 to vector<256x3072xi32>
    %ge3A_3 = arith.cmpi sge, %bitcast_convert_type3A, %ge3A_2 : vector<256x3072xi32>
    %xor3A = arith.constant 2147483647 : i32
    %xor3A_4 = vector.broadcast %xor3A : i32 to vector<256x3072xi32>
    %xor3A_5 = arith.xori %bitcast_convert_type3A, %xor3A_4 : vector<256x3072xi32>
    %select_n3A = arith.select %ge3A_3, %bitcast_convert_type3A, %xor3A_5 : vector<256x3072xi1>, vector<256x3072xi32>
    %get3A_6 = arith.constant 0 : index
    %get3A_7 = arith.constant 0 : index
    %get3A_8 = vector.load %arg2[%get3A_6, %get3A_7] : memref<256x1xi32, #tpu.memory_space<vmem>>, vector<256x1xi32>
    %ge3A_9 = vector.broadcast %get3A_8 : vector<256x1xi32> to vector<256x3072xi32>
    %ge3A_10 = arith.cmpi sge, %select_n3A, %ge3A_9 : vector<256x3072xi32>
    %jit3A = arith.constant 0.000000e+00 : f32
    %broadcast_in_dim3A = vector.broadcast %jit3A : f32 to vector<256x3072xf32>
    %select_n3A_11 = arith.select %ge3A_10, %get3A_1, %broadcast_in_dim3A : vector<256x3072xi1>, vector<256x3072xf32>
    %swap3A = arith.constant 0 : index
    %swap3A_12 = arith.constant 0 : index
    %swap3A_13 = vector.load %arg5[%swap3A, %swap3A_12] : memref<256x3072xf32, #tpu.memory_space<vmem>>, vector<256x3072xf32>
    tpu.vector_store %arg5[%swap3A, %swap3A_12], %select_n3A_11 {strides = array<i32>} : memref<256x3072xf32, #tpu.memory_space<vmem>>, vector<256x3072xf32>,
    %get3A_14 = arith.constant 0 : index
    %get3A_15 = arith.constant 0 : index
    %get3A_16 = vector.load %arg3[%get3A_14, %get3A_15] : memref<768x3072xf32, #tpu.memory_space<vmem>>, vector<768x3072xf32>
    %dot_general3A = arith.constant dense<0.000000e+00> : vector<256x768xf32>
    %dot_general3A_17 = tpu.matmul %select_n3A_11, %get3A_16, %dot_general3A {dimension_numbers = #tpu.dot_dimension_numbers<[1], [1], [0], [0], [0, 0, 1, 0], [], []>, transpose_lhs_hint = false} : vector<256x3072xf32>, vector<768x3072xf32>, vector<256x768xf32> -> vector<256x768xf32>
    %get3A_18 = arith.constant 0 : index
    %get3A_19 = arith.constant 0 : index
    %get3A_20 = vector.load %arg4[%get3A_18, %get3A_19] : memref<1x768xf32, #tpu.memory_space<vmem>>, vector<1x768xf32>
    %add3A = vector.broadcast %get3A_20 : vector<1x768xf32> to vector<256x768xf32>
    %add3A_21 = arith.addf %dot_general3A_17, %add3A : vector<256x768xf32>
    %swap3A_22 = arith.constant 0 : index
    %swap3A_23 = arith.constant 0 : index
    %swap3A_24 = vector.load %arg6[%swap3A_22, %swap3A_23] : memref<256x768xf32, #tpu.memory_space<vmem>>, vector<256x768xf32>
    tpu.vector_store %arg6[%swap3A_22, %swap3A_23], %add3A_21 {strides = array<i32>} : memref<256x768xf32, #tpu.memory_space<vmem>>, vector<256x768xf32>,
    return
  }
  func.func @transform_0(%arg0: i32) -> (i32, i32) {
    %c0_i32 = arith.constant 0 : i32
    %c0_i32_0 = arith.constant 0 : i32
    return %arg0, %c0_i32 : i32, i32
  }
  func.func @transform_1(%arg0: i32) -> (i32, i32) {
    %c0_i32 = arith.constant 0 : i32
    %c0_i32_0 = arith.constant 0 : i32
    return %arg0, %c0_i32 : i32, i32
  }
  func.func @transform_2(%arg0: i32) -> (i32, i32) {
    %c0_i32 = arith.constant 0 : i32
    %c0_i32_0 = arith.constant 0 : i32
    %c0_i32_1 = arith.constant 0 : i32
    return %c0_i32, %c0_i32_0 : i32, i32
  }
  func.func @transform_3(%arg0: i32) -> (i32, i32) {
    %c0_i32 = arith.constant 0 : i32
    %c0_i32_0 = arith.constant 0 : i32
    %c0_i32_1 = arith.constant 0 : i32
    return %c0_i32, %c0_i32_0 : i32, i32
  }
  func.func @transform_4(%arg0: i32) -> (i32, i32) {
    %c0_i32 = arith.constant 0 : i32
    %c0_i32_0 = arith.constant 0 : i32
    return %arg0, %c0_i32 : i32, i32
  }
  func.func @transform_5(%arg0: i32) -> (i32, i32) {
    %c0_i32 = arith.constant 0 : i32
    %c0_i32_0 = arith.constant 0 : i32
    return %arg0, %c0_i32 : i32, i32
  }
}

</mosaic_0001>

<sc_bundles>
// kernel: kernel.5.cloned.1.call-start
scs
__scs_entry_jumppad:
0x0: {  	(pc) =	sbr.rel $0x88, $3  }
0x1: {  	(tag) =	ssettag $0x0;
	lr =	simm.s32 $0x1  }
0x2: {  	[smem:$0x3F9C] =	sst lr;
	_ =	strace $0xD0000000  }
0x3: {  	_ = 	snop  }
0x4: {  	_ = 	snop  }
0x5: {  	_ = 	snop  }
0x6: {  	_ = 	snop  }
0x7: {  	_ = 	snop  }
__scs_overlays_trampoline_lowered:
0x8: {  	[smem:$0x3FAB] =	sst s0  }
0x9: {  	[smem:$0x3FAC] =	sst s1  }
0xa: {  	[smem:$0x3FAD] =	sst s2  }
0xb: {  	[smem:$0x3FAE] =	sst s3  }
0xc: {  	[smem:$0x3FAF] =	sst s4  }
0xd: {  	[smem:$0x3FB0] =	sst s5  }
0xe: {  	[smem:$0x3FB1] =	sst s6  }
0xf: {  	[smem:$0x3FB2] =	sst s7  }
0x10: {  	[smem:$0x3FB3] =	sst s8  }
0x11: {  	[smem:$0x3FB4] =	sst s9;
	s0 =	simm.s32 @!p0 $0x0  }
0x12: {  	s1 =	sld [smem:$0x3F9A];
	s0 =	simm.s32 @p0 $0x1  }
0x13: {  	[smem:$0x3FB5] =	sst s0;
	s0 =	simm.s32 @!p1 $0x0  }
0x14: {  	s2 =	sld [smem:$0x3F99];
	s0 =	simm.s32 @p1 $0x1  }
0x15: {  	[smem:$0x3FB6] =	sst s0;
	s0 =	simm.s32 @!p2 $0x0  }
0x16: {  	s3 =	sld [smem:$0x3FDB];
	s0 =	simm.s32 @p2 $0x1  }
0x17: {  	s4 =	simm.s32 $0x1BF5;
	[smem:$0x3FB8] =	sst s0  }
0x18: {  	s0 =	sld [smem:$0x3F9B];
	_ =	swait.ge [sflag:s4], $0x0  }
0x19: {  	s7 =	sld [smem:$0x3F9C]  }
0x1a: {  	s8 =	sadd.s32 $0xFFFFE003, lr  }
0x1b: {  	s9 =	sadd.s32 $0xFFFFFEF7, lr;
	s5 =	simm.s32 $0xFFFFFFFF;
	p2 =	slt.u32 s8, $0xFFFFF086  }
0x1c: {  	p1 =	slt.u32 s9, $0xF7A;
	s5 =	simm.s32 @!p2 $0x0  }
0x1d: {  	s5 =	simm.s32 @p1 $0x1;
	p0 =	seq.s32 s7, s2  }
0x1e: {  	s7 =	smul.u32 @!p0 $0xF7A, s2;
	p2 =	seq.s32 @!p0 s5, $0x0  }
0x1f: {  	s9 =	smul.u32 $0xF7A, s1;
	s8 =	simm.s32 @!p0 $0x1BF5;
	p2 =	por !p2, p0  }
0x20: {  	[sflag:s8] =	ssyncset.s32 @!p0 $0xFFFFF086;
	s6 =	sadd.s32 @!p0 s3, s7;
	s7 =	simm.s32 @!p0 $0x108  }
0x21: {  	s3 =	sadd.s32 s3, s9;
	s6 =	sadd.s32 @!p0 $0x88, s6;
	s7 =	simm.s32 @p2 $0x1082  }
0x22: {  	[simem:s7], [sflag:s8] =	dma.local @!p0 [hbm:s6], $0xF7A  }
0x23: {  	s9 =	sor.u32 $0xD0000000, s2;
	s6 =	simm.s32 $0x108;
	_ =	swait.ge @!p0 [sflag:s8], $0x0  }
0x24: {  	s3 =	sadd.s32 $0x88, s3;
	s6 =	simm.s32 @!p1 $0x1082;
	[sflag:s4] =	ssyncset.s32 $0xFFFFF086  }
0x25: {  	[simem:s6], [sflag:s4] =	dma.local [hbm:s3], $0xF7A  }
0x26: {  	[smem:$0x3F9C] =	sst s1;
	(tag) =	ssettag s2;
	_ =	strace s9  }
0x27: {  	s1 =	sld [smem:$0x3FAC]  }
0x28: {  	s2 =	sld [smem:$0x3FAD]  }
0x29: {  	s4 =	sld [smem:$0x3FAF]  }
0x2a: {  	p0 =	seq.s32 s5, $0x0;
	s5 =	sld [smem:$0x3FB0]  }
0x2b: {  	s6 =	sld [smem:$0x3FB1]  }
0x2c: {  	s7 =	sld [smem:$0x3FB2]  }
0x2d: {  	s3 =	simm.s32 $0x108;
	s8 =	sld [smem:$0x3FB3]  }
0x2e: {  	s3 =	simm.s32 @!p0 $0x1082;
	s9 =	sld [smem:$0x3FB4]  }
0x2f: {  	lr =	sadd.s32 s0, s3;
	s0 =	sld [smem:$0x3FAB]  }
0x30: {  	s3 =	sld [smem:$0x3FAE]  }
0x31: {  	[smem:$0x3FB7] =	sst s10  }
0x32: {  	s10 =	sld [smem:$0x3FB5];
	_ =	sdelay $0x3  }
0x33: {  	p0 =	seq.s32 s10, $0x1;
	s10 =	sld [smem:$0x3FB7];
	_ =	sdelay $0x3  }
0x34: {  	[smem:$0x3FB7] =	sst s10  }
0x35: {  	s10 =	sld [smem:$0x3FB6];
	_ =	sdelay $0x3  }
0x36: {  	p1 =	seq.s32 s10, $0x1;
	s10 =	sld [smem:$0x3FB7];
	_ =	sdelay $0x3  }
0x37: {  	[smem:$0x3FB7] =	sst s10  }
0x38: {  	s10 =	sld [smem:$0x3FB8]  }
0x39: {  	_ = 	snop;
	(pc) =	sbr.ind lr, $3  }
0x3a: {  	_ = 	snop  }
0x3b: {  	_ = 	snop  }
0x3c: {  	p2 =	seq.s32 s10, $0x1;
	s10 =	sld [smem:$0x3FB7]  }
0x3d: {  	_ =	shalt  }
0x3e: {  	_ =	shalt  }
0x3f: {  	_ =	shalt  }
0x40: {  	_ =	shalt  }
0x41: {  	_ =	shalt  }
0x42: {  	_ =	shalt  }
0x43: {  	_ =	shalt  }
0x44: {  	_ =	shalt  }
0x45: {  	_ =	shalt  }
0x46: {  	_ =	shalt  }
0x47: {  	_ =	shalt  }
0x48: {  	_ =	shalt  }
0x49: {  	_ =	shalt  }
0x4a: {  	_ =	shalt  }
0x4b: {  	_ =	shalt  }
0x4c: {  	_ =	shalt  }
0x4d: {  	_ =	shalt  }
0x4e: {  	_ =	shalt  }
0x4f: {  	_ =	shalt  }
0x50: {  	_ =	shalt  }
0x51: {  	_ =	shalt  }
0x52: {  	_ =	shalt  }
0x53: {  	_ =	shalt  }
0x54: {  	_ =	shalt  }
0x55: {  	_ =	shalt  }
0x56: {  	_ =	shalt  }
0x57: {  	_ =	shalt  }
0x58: {  	_ =	shalt  }
0x59: {  	_ =	shalt  }
0x5a: {  	_ =	shalt  }
0x5b: {  	_ =	shalt  }
0x5c: {  	_ =	shalt  }
0x5d: {  	_ =	shalt  }
0x5e: {  	_ =	shalt  }
0x5f: {  	_ =	shalt  }
0x60: {  	_ =	shalt  }
0x61: {  	_ =	shalt  }
0x62: {  	_ =	shalt  }
0x63: {  	_ =	shalt  }
0x64: {  	_ =	shalt  }
0x65: {  	_ =	shalt  }
0x66: {  	_ =	shalt  }
0x67: {  	_ =	shalt  }
0x68: {  	_ =	shalt  }
0x69: {  	_ =	shalt  }
0x6a: {  	_ =	shalt  }
0x6b: {  	_ =	shalt  }
0x6c: {  	_ =	shalt  }
0x6d: {  	_ =	shalt  }
0x6e: {  	_ =	shalt  }
0x6f: {  	_ =	shalt  }
0x70: {  	_ =	shalt  }
0x71: {  	_ =	shalt  }
0x72: {  	_ =	shalt  }
0x73: {  	_ =	shalt  }
0x74: {  	_ =	shalt  }
0x75: {  	_ =	shalt  }
0x76: {  	_ =	shalt  }
0x77: {  	_ =	shalt  }
0x78: {  	_ =	shalt  }
0x79: {  	_ =	shalt  }
0x7a: {  	_ =	shalt  }
0x7b: {  	_ =	shalt  }
0x7c: {  	_ =	shalt  }
0x7d: {  	_ =	shalt  }
0x7e: {  	_ =	shalt  }
0x7f: {  	_ =	shalt  }
0x80: {  	_ =	shalt  }
0x81: {  	_ =	shalt  }
0x82: {  	_ =	shalt  }
0x83: {  	_ =	shalt  }
0x84: {  	_ =	shalt  }
0x85: {  	_ =	shalt  }
0x86: {  	_ =	shalt  }
0x87: {  	_ =	shalt  }
.Lfunc_end0:
.L_simem_size_0:
called_computation.1_lowered:
.L_overlay_start_0:
0x88: {  	s2 =	sld [smem:$0x3FD9]  }
0x89: {  	s3 =	sld [smem:$0x3FFE];
	_ =	sdelay $0x1  }
0x8a: {  	s1 =	srdreg.scid  }
0x8b: {  	s0 =	sand.u32 $0x1, s1  }
0x8c: {  	s14 =	sshll.u32 s0, $0xA;
	s2 =	sadd.s32 s3, s2  }
0x8d: {  	s2 =	sadd.s32 s2, s14  }
0x8e: {  	[smem:$0x3FC3] =	sst s2  }
0x8f: {  	_ = 	snop  }
0x90: {  	s2 =	sld [smem:$0x3FD0];
	_ =	sdelay $0x2  }
0x91: {  	s15 =	simm.s32 $0xA;
	s4 =	simm.s32 $0x10  }
0x92: {  	[smem:s4], [sflag:s15] =	dma.local [hbm:s2], $0x1  }
0x93: {  	_ =	swait.eq [sflag:s15], $0x1  }
0x94: {  	[sflag:s15] =	ssyncset.done $0x0  }
0x95: {  	[sflag:s15] =	ssyncadd.s32 $0xFFFFFFFF  }
0x96: {  	s16 =	sld [smem:$0x10];
	(tm) =	ssettm $0x1  }
0x97: {  	s17 =	sld [smem:$0x3FFB];
	_ =	sdelay $0x3  }
0x98: {  	_ =	strace s17  }
0x99: {  	s3 =	sld [smem:$0x3FFC];
	_ =	sdelay $0x3  }
0x9a: {  	_ =	strace s3  }
0x9b: {  	s3 =	sld [smem:$0x3FFD];
	_ =	sdelay $0x3  }
0x9c: {  	_ =	strace s3  }
0x9d: {  	_ =	strace $0x8FFFFFFF  }
0x9e: {  	s18 =	sld [smem:$0x3FDB];
	_ =	sdelay $0x1  }
0x9f: {  	s19 =	simm.s32 $_scs_section_size  }
0xa0: {  	s5 =	simm.s32 $_size__tile_overlayer_lowered;
	s6 =	simm.s32 $_tile_overlayer_lowered  }
0xa1: {  	s22 =	simm.s32 $0x1BFF;
	s21 =	sshll.u32 s6, $0x1;
	s3 =	sadd.s32 s19, s18  }
0xa2: {  	s7 =	simm.s32 $0x0;
	s20 =	sshll.u32 s5, $0x1;
	s5 =	sadd.s32 s21, s3  }
0xa3: {  	[timem:s7], [sflag:s22] =	dma.local [hbm:s5], s20  }
0xa4: {  	_ =	swait.ge [sflag:s22], s20  }
0xa5: {  	s4 =	ssub.s32 $0x0, s20;
	[sflag:s22] =	ssyncset.done $0x0  }
0xa6: {  	[sflag:s22] =	ssyncadd.s32 s4;
	_ =	sdelay $0x1  }
0xa7: {  	s23 =	simm.s32 $0x1B8B  }
0xa8: {  	_ =	swait.ge [sflag:s23], $0x1  }
0xa9: {  	[sflag:s23] =	ssyncset.done $0x0  }
0xaa: {  	s25 =	simm.s32 $0x1B8E;
	s24 =	sld [smem:$0x3FFE];
	[sflag:s23] =	ssyncadd.s32 $0xFFFFFFFF  }
0xab: {  	s26 =	simm.s32 $execute0_lowered;
	[smem:$0x3FD2] =	sst s25  }
0xac: {  	s5 =	sshll.u32 s26, $0x1;
	_ =	strace $0x80000049;
	[dreg:$0x1] =	wrdreg $0xFFFFFFFF  }
0xad: {  	s28 =	simm.s32 $_size_execute0_lowered;
	s3 =	sadd.s32 s3, s5;
	[dreg:$0x0] =	wrdreg $0x0  }
0xae: {  	s5 =	sshll.u32 s28, $0x1;
	[dreg:$0x2] =	wrdreg s3  }
0xaf: {  	[dreg:$0x3] =	wrdreg s5  }
0xb0: {  	[dreg:$0x4] =	wrdreg $0xC0  }
0xb1: {  	_ =	task [dreg:s7], $0x5FFFF  }
0xb2: {  	[dreg:$0x1] =	wrdreg $0xFFFFFFFF  }
0xb3: {  	[dreg:$0x0] =	wrdreg $0x60  }
0xb4: {  	[dreg:$0x2] =	wrdreg s24  }
0xb5: {  	[dreg:$0x3] =	wrdreg s16  }
0xb6: {  	[dreg:$0x4] =	wrdreg $0x9  }
0xb7: {  	_ =	task.clear_ibuf [dreg:s7], $0x5FFFF;
	_ =	strace $0x90000049  }
0xb8: {  	s29 =	simm.s32 $0x9;
	_ =	strace $0x8000004B  }
0xb9: {  	_ =	swait.ge [sflag:s29], $0x1  }
0xba: {  	[sflag:s29] =	ssyncadd.s32 $0xFFFFFFFF  }
0xbb: {  	_ =	strace $0x9000004B  }
0xbc: {  	_ =	sfence  }
0xbd: {  	s30 =	sld [smem:$0x0];
	_ =	sdelay $0x2  }
0xbe: {  	s31 =	sshll.u32 s1, $0xD;
	s1 =	sshrl.u32 s1, $0x2  }
0xbf: {  	s3 =	sand.u32 $0x4000, s31;
	s1 =	sadd.s32 s1, s30  }
0xc0: {  	s0 =	sor.u32 s3, s0;
	s1 =	sshll.u32 s1, $0x11  }
0xc1: {  	s0 =	sor.u32 s1, s0  }
0xc2: {  	s0 =	sadd.s32 $0x8F2B, s0  }
0xc3: {  	[sflag:s0] =	ssyncadd.remote.s32 $0x1  }
0xc4: {  	_ =	sfence.sel $0xFFFF  }
0xc5: {  	[dreg:$0x0] =	wrdreg $0xFFFFFFFF;
	(pc) =	sbr.abs _section_cstart, $3  }
0xc6: {  	[dreg:$0x1] =	wrdreg $0xFFFFFFFF  }
0xc7: {  	_ =	task.clear_ibuf [dreg:s7], $0x2FFFF;
	_ =	strace $0x9FFFFFFF  }
0xc8: {  	(tm) =	ssettm $0x7FFFFFFF  }
0xc9: {  	_ =	shalt  }
tec
execute0_lowered:
.L_overlay_start_1:
0x0: {  	(tag) =	ssettag $0x1  }
0x1: {  	s0 =	rddreg [dreg:$0x0];
	s2 =	simm.s32 $0x0  }
0x2: {  	[smem:$0x7FF] =	sst s2  }
0x3: {  	s1 =	rddreg [dreg:$0x1];
	v0 =	vimm.s32 $0x0;
	_ =	strace $0x8000004A  }
0x4: {  	(xrf0) =	vadd.scan.msk.s32 $0xffff, v0;
	_ =	sdelay $0x5  }
0x5: {  	v1, _, _ =	vpop (xrf0)  }
0x6: {  	(v2sf) =	vpush v1, $0xF;
	_ =	sdelay $0x8  }
0x7: {  	s3 =	srdreg.scid;
	s7 =	stileid.u32  }
0x8: {  	s8 =	simm.s32 $0x1;
	s9 =	simm.s32 $0x6000;
	s3 =	sand.u32 $0x1, s3  }
.Ltmp0:
0x9: {  	s10 =	simm.s32 $0x7100;
	s4 =	ssub.s32 $0x2, s3;
	(pc) =	sbr.rel .LBB2_1-.Ltmp0, $4  }
0xa: {  	s11 =	simm.s32 $0x7D30;
	s13 =	simm.s32 $0x0;
	s5 =	sshrl.u32 s4, $0x1;
	v1 =	vlaneseq.u32  }
0xb: {  	s30 =	sshll.u32 s7, $0x8;
	s3 =	sshll.u32 s3, $0x7;
	s6 =	ssub.s32 s4, s5;
	v4 =	vmul.u32 $0xFFFFFFFF, v1  }
0xc: {  	v5 =	vimm.s32 $0x80000000;
	s4 =	sadd.s32 $0x1200, s0;
	s5 =	sor.u32 s3, s30;
	s31 =	smax.u32 s6, $0x1;
	v2 =	vor.u32 $0x800, v1;
	v3 =	vand.u32 $0x7, v1  }
0xd: {  	s3 =	simm.s32 $0x0;
	[dreg:$0x3] =	wrdreg s31;
	v6 =	vor.u32 $0x10, v1;
	v7 =	vor.u32 $0x20, v1;
	v4 =	vadd.s32 $0xF, v4;
	s7 =	spop (v2sf)  }
.LBB2_63:
0xe: {  	s3 =	rddreg [dreg:$0x4]  }
0xf: {  	s0 =	rddreg [dreg:$0x3];
	s3 =	sadd.s32 $0x1, s3  }
0x10: {  	p0 =	sne.s32 s3, s0  }
.Ltmp1:
0x11: {  	_ = 	snop;
	(pc) =	sbr.rel @!p0 .LBB2_64-.Ltmp1, $1  }
0x12: {  	_ =	sdelay $0x3  }
.LBB2_1:
0x13: {  	[dreg:$0x4] =	wrdreg s3;
	s0 =	simm.s32 $0x40;
	s3 =	simm.s32 $0x0  }
.LBB2_2:
0x14: {  	p0 =	sne.s32 s0, $0x3FC0;
	[tilespmem:s3+$0x6000] =	vst v0;
	s3 =	smov.u32 s0;
	s0 =	sadd.s32 $0x40, s0  }
.Ltmp2:
0x15: {  	(pc) =	sbr.rel @p0 .LBB2_2-.Ltmp2, $2  }
0x16: {  	_ =	sdelay $0x2  }
0x17: {  	s3 =	sshra.s32 s3, $0x2  }
.Ltmp3:
0x18: {  	(pc) =	sbr.rel .LBB2_4-.Ltmp3, $2  }
0x19: {  	_ =	sdelay $0x2  }
0x1a: {  	[tilespmem:s3+$0x6000] =	vst v0;
	s14 =	simm.s32 $0x0  }
.LBB2_62:
0x1b: {  	s14 =	sadd.s32 $0x1, s14  }
0x1c: {  	s0 =	sshll.u32 s15, $0x4;
	p0 =	sne.s32 s14, $0x80  }
.Ltmp4:
0x1d: {  	s0 =	sadd.s32 s1, s0;
	(pc) =	sbr.rel @!p0 .LBB2_63-.Ltmp4, $4  }
0x1e: {  	[hbm4b:s0+s2] =	stream.linear.scatter [tilespmem:s11], [sflag:$0x1], $0x80, $0x38;
	[tilespmem:$0x7DB0] =	vst v63  }
0x1f: {  	_ =	swait.ge [sflag:s8], $0x80  }
0x20: {  	[sflag:s8] =	ssyncset.done $0x0  }
0x21: {  	[sflag:s8] =	ssyncadd.s32 $0xFFFFFF80  }
.LBB2_4:
0x22: {  	s15 =	sadd.s32 s5, s14  }
0x23: {  	s0 =	smul.u32 $0xC00, s15;
	_ =	sdelay $0x1  }
.Ltmp5:
0x24: {  	s0 =	sadd.s32 s4, s0;
	(pc) =	sbr.rel .LBB2_5-.Ltmp5, $4  }
0x25: {  	[tilespmem:s13], [sflag:$0x1] =	stream.linear.gather [hbm4b:s0+s13], $0x6000, $0x38;
	[tilespmem:$0x7DB0] =	vst v63  }
0x26: {  	_ =	swait.ge [sflag:s8], $0x6000  }
0x27: {  	[sflag:s8] =	ssyncset.done $0x0  }
0x28: {  	s16 =	simm.s32 $0x0;
	s17 =	simm.s32 $0x0;
	[sflag:s8] =	ssyncadd.s32 $0xFFFFA000  }
.LBB2_65:
0x29: {  	p0 =	slt.s32 s7, s18;
	s20 =	sor.u32 $0x7FFFFE, s20  }
0x2a: {  	s20 =	smov.u32 @p0 s0  }
0x2b: {  	v8 =	vimm.s32 $0x0;
	s0 =	sor.u32 $0x1, s20  }
.LBB2_61:
0x2c: {  	(xrf0) =	vadd.scan.msk.s32 $0xffff, v8;
	_ =	sdelay $0x5  }
0x2d: {  	v8, _, _ =	vpop (xrf0)  }
0x2e: {  	(v2sf) =	vpush v8, $0xF;
	_ =	sdelay $0xe  }
0x2f: {  	s3 =	spop (v2sf)  }
0x30: {  	s30 =	sshll.u32 s17, $0x4;
	s17 =	sadd.s32 $0x1, s17;
	p0 =	slt.s32 s3, s18  }
0x31: {  	s0 =	smov.u32 @p0 s20;
	p0 =	sne.s32 s17, $0x8  }
.Ltmp6:
0x32: {  	_ = 	snop;
	(pc) =	sbr.rel @!p0 .LBB2_62-.Ltmp6, $3  }
0x33: {  	_ =	sdelay $0x1  }
0x34: {  	s31 =	sand.u32 $0x3FFFFFF0, s30;
	v8 =	vmov s0  }
0x35: {  	s16 =	sadd.s32 $0xC00, s16;
	[tilespmem:s31+$0x7D30] =	vst v8  }
.LBB2_5:
0x36: {  	v8 =	vmov s16;
	_ =	sdelay $0x2  }
0x37: {  	s18 =	simm.s32 $0x0;
	s0 =	simm.s32 $0x0  }
.LBB2_6:
0x38: {  	s3 =	sshra.s32 s0, $0x2  }
0x39: {  	v9 =	vld.idx.msk [tilespmem:v8+s3+$0x0 ss:$0x1], $0xffff;
	_ =	sdelay $0x4  }
0x3a: {  	v10 =	vshra.s32 v9, $0x1F  }
0x3b: {  	v10 =	vand.u32 $0x7F000000, v10  }
0x3c: {  	v9 =	vxor.u32 v9, v10  }
0x3d: {  	v9 =	vshra.s32 v9, $0x14  }
0x3e: {  	v9 =	vand.u32 $0xFFFFFFF0, v9  }
0x3f: {  	v9 =	vadd.s32 v2, v9  }
0x40: {  	v9 =	vand.u32 $0xFFFFFFF8, v9  }
0x41: {  	v9 =	vor.u32 v3, v9;
	_ =	sdelay $0x4  }
0x42: {  	v10 =	vld.idx.msk [tilespmem:v9+s9+$0x0], $0xffff  }
0x43: {  	p0 =	sne.s32 s0, $0x2FC0  }
.Ltmp7:
0x44: {  	_ = 	snop;
	(pc) =	sbr.rel @p0 .LBB2_6-.Ltmp7, $3  }
0x45: {  	_ =	sdelay $0x1  }
0x46: {  	v10 =	vadd.s32 $0x1, v10  }
0x47: {  	s0 =	sadd.s32 $0x40, s0;
	[tilespmem:v9+s9+$0x0] =	vst.idx.msk $0xffff, v10  }
0x48: {  	s19 =	simm.s32 $0x6080  }
0x49: {  	v9 =	vld [tilespmem:s19+$0xFFFFFF90]  }
0x4a: {  	s0 =	simm.s32 $0x40;
	v10 =	vld [tilespmem:s19+$0xFFFFFF80]  }
.LBB2_8:
0x4b: {  	p0 =	sne.s32 s0, $0x3C0;
	v11 =	vld [tilespmem:s19+$0xFFFFFFA0]  }
0x4c: {  	v12 =	vld [tilespmem:s19+$0xFFFFFFB0]  }
0x4d: {  	v13 =	vld [tilespmem:s19+$0xFFFFFFC0]  }
0x4e: {  	v14 =	vld [tilespmem:s19+$0xFFFFFFD0]  }
0x4f: {  	v9 =	vadd.s32 v10, v9;
	v10 =	vld [tilespmem:s19+$0xFFFFFFE0]  }
0x50: {  	v9 =	vadd.s32 v9, v11;
	v11 =	vld [tilespmem:s19+$0xFFFFFFF0]  }
0x51: {  	v9 =	vadd.s32 v9, v12;
	v12 =	vld [tilespmem:s19+$0x0]  }
0x52: {  	v9 =	vadd.s32 v9, v13;
	v13 =	vld [tilespmem:s19+$0x10]  }
0x53: {  	v9 =	vadd.s32 v9, v14;
	v14 =	vld [tilespmem:s19+$0x20]  }
0x54: {  	v9 =	vadd.s32 v9, v10;
	v10 =	vld [tilespmem:s19+$0x30]  }
0x55: {  	v9 =	vadd.s32 v9, v11;
	v11 =	vld [tilespmem:s19+$0x40]  }
0x56: {  	v9 =	vadd.s32 v9, v12;
	v12 =	vld [tilespmem:s19+$0x50]  }
0x57: {  	v9 =	vadd.s32 v9, v13;
	v13 =	vld [tilespmem:s19+$0x60]  }
0x58: {  	v9 =	vadd.s32 v9, v14;
	v14 =	vld [tilespmem:s19+$0x70]  }
0x59: {  	v9 =	vadd.s32 v9, v10  }
0x5a: {  	v9 =	vadd.s32 v9, v11  }
0x5b: {  	v9 =	vadd.s32 v9, v12  }
.Ltmp8:
0x5c: {  	v9 =	vadd.s32 v9, v13;
	(pc) =	sbr.rel @p0 .LBB2_8-.Ltmp8, $4  }
0x5d: {  	s3 =	sshra.s32 s18, $0x2;
	s18 =	smov.u32 s0;
	v9 =	vadd.s32 v9, v14  }
0x5e: {  	s19 =	sadd.s32 $0x100, s19;
	[tilespmem:s3+$0x7000] =	vst v9  }
0x5f: {  	v9 =	vld [tilespmem:s19+$0xFFFFFF90]  }
0x60: {  	s0 =	sadd.s32 $0x40, s0;
	v10 =	vld [tilespmem:s19+$0xFFFFFF80]  }
0x61: {  	v11 =	vld [tilespmem:s19+$0xFFFFFFA0]  }
0x62: {  	v12 =	vld [tilespmem:s19+$0xFFFFFFB0]  }
0x63: {  	v13 =	vld [tilespmem:s19+$0xFFFFFFC0]  }
0x64: {  	v14 =	vld [tilespmem:s19+$0xFFFFFFD0]  }
0x65: {  	v9 =	vadd.s32 v10, v9;
	v10 =	vld [tilespmem:s19+$0xFFFFFFE0]  }
0x66: {  	v9 =	vadd.s32 v9, v11;
	v11 =	vld [tilespmem:s19+$0xFFFFFFF0]  }
0x67: {  	v9 =	vadd.s32 v9, v12;
	v12 =	vld [tilespmem:s19+$0x0]  }
0x68: {  	v9 =	vadd.s32 v9, v13;
	v13 =	vld [tilespmem:s19+$0x10]  }
0x69: {  	v9 =	vadd.s32 v9, v14;
	v14 =	vld [tilespmem:s19+$0x20]  }
0x6a: {  	v9 =	vadd.s32 v9, v10;
	v10 =	vld [tilespmem:s19+$0x30]  }
0x6b: {  	v9 =	vadd.s32 v9, v11;
	v11 =	vld [tilespmem:s19+$0x40]  }
0x6c: {  	v9 =	vadd.s32 v9, v12;
	v12 =	vld [tilespmem:s19+$0x50]  }
0x6d: {  	v9 =	vadd.s32 v9, v13;
	v13 =	vld [tilespmem:s19+$0x60]  }
0x6e: {  	v9 =	vadd.s32 v9, v14;
	v14 =	vld [tilespmem:s19+$0x70]  }
0x6f: {  	v9 =	vadd.s32 v9, v10  }
0x70: {  	v9 =	vadd.s32 v9, v11  }
0x71: {  	v9 =	vadd.s32 v9, v12  }
0x72: {  	v9 =	vadd.s32 v9, v13  }
0x73: {  	s0 =	sshra.s32 s18, $0x2;
	v9 =	vadd.s32 v9, v14  }
0x74: {  	[tilespmem:s0+$0x7000] =	vst v9  }
0x75: {  	v9 =	vld [tilespmem:$0x7000]  }
0x76: {  	v10 =	vld [tilespmem:$0x7010]  }
0x77: {  	v11 =	vld [tilespmem:$0x7020]  }
0x78: {  	v12 =	vld [tilespmem:$0x7030]  }
0x79: {  	v13 =	vld [tilespmem:$0x7040]  }
0x7a: {  	(xrf0) =	vadd.scan.msk.s32 $0xffff, v9;
	v9 =	vld [tilespmem:$0x7050]  }
0x7b: {  	(xrf0) =	vadd.scan.msk.s32 $0xffff, v10;
	v10 =	vld [tilespmem:$0x7060]  }
0x7c: {  	(xrf0) =	vadd.scan.msk.s32 $0xffff, v11;
	v11 =	vld [tilespmem:$0x7070]  }
0x7d: {  	(xrf0) =	vadd.scan.msk.s32 $0xffff, v12;
	v12 =	vld [tilespmem:$0x7080]  }
0x7e: {  	(xrf0) =	vadd.scan.msk.s32 $0xffff, v13;
	v13 =	vld [tilespmem:$0x7090]  }
0x7f: {  	(xrf0) =	vadd.scan.msk.s32 $0xffff, v9;
	v9 =	vld [tilespmem:$0x70A0]  }
0x80: {  	v14, _, _ =	vpop (xrf0);
	(xrf0) =	vadd.scan.msk.s32 $0xffff, v10;
	v10 =	vld [tilespmem:$0x70B0]  }
0x81: {  	(v2sf) =	vpush v14, $0xF;
	v14, _, _ =	vpop (xrf0);
	(xrf0) =	vadd.scan.msk.s32 $0xffff, v11;
	v11 =	vld [tilespmem:$0x70C0]  }
0x82: {  	(v2sf) =	vpush v14, $0xF;
	v14, _, _ =	vpop (xrf0);
	(xrf0) =	vadd.scan.msk.s32 $0xffff, v12;
	v12 =	vld [tilespmem:$0x70D0]  }
0x83: {  	(v2sf) =	vpush v14, $0xF;
	v14, _, _ =	vpop (xrf0);
	(xrf0) =	vadd.scan.msk.s32 $0xffff, v13;
	v13 =	vld [tilespmem:$0x70E0]  }
0x84: {  	(v2sf) =	vpush v14, $0xF;
	v14, _, _ =	vpop (xrf0);
	(xrf0) =	vadd.scan.msk.s32 $0xffff, v9;
	v9 =	vld [tilespmem:$0x70F0]  }
0x85: {  	(v2sf) =	vpush v14, $0xF;
	v14, _, _ =	vpop (xrf0);
	(xrf0) =	vadd.scan.msk.s32 $0xffff, v10  }
0x86: {  	(v2sf) =	vpush v14, $0xF;
	v10, _, _ =	vpop (xrf0);
	(xrf0) =	vadd.scan.msk.s32 $0xffff, v11  }
0x87: {  	(v2sf) =	vpush v10, $0xF;
	v10, _, _ =	vpop (xrf0);
	(xrf0) =	vadd.scan.msk.s32 $0xffff, v12  }
0x88: {  	(v2sf) =	vpush v10, $0xF;
	v10, _, _ =	vpop (xrf0);
	(xrf0) =	vadd.scan.msk.s32 $0xffff, v13  }
0x89: {  	(v2sf) =	vpush v10, $0xF;
	v10, _, _ =	vpop (xrf0);
	(xrf0) =	vadd.scan.msk.s32 $0xffff, v9  }
0x8a: {  	v9, _, _ =	vpop (xrf0);
	(v2sf) =	vpush v10, $0xF  }
0x8b: {  	v10, _, _ =	vpop (xrf0);
	(v2sf) =	vpush v9, $0xF  }
0x8c: {  	v9, _, _ =	vpop (xrf0);
	(v2sf) =	vpush v10, $0xF  }
0x8d: {  	v10, _, _ =	vpop (xrf0);
	(v2sf) =	vpush v9, $0xF  }
0x8e: {  	v9, _, _ =	vpop (xrf0);
	(v2sf) =	vpush v10, $0xF  }
0x8f: {  	(v2sf) =	vpush v9, $0xF;
	v9, _, _ =	vpop (xrf0)  }
0x90: {  	s20 =	spop (v2sf);
	(v2sf) =	vpush v9, $0xF  }
0x91: {  	s22 =	spop (v2sf)  }
0x92: {  	s25 =	spop (v2sf)  }
0x93: {  	s26 =	spop (v2sf)  }
0x94: {  	s30 =	spop (v2sf)  }
0x95: {  	s3 =	spop (v2sf)  }
0x96: {  	s12 =	spop (v2sf)  }
0x97: {  	s6 =	spop (v2sf)  }
0x98: {  	s0 =	spop (v2sf)  }
0x99: {  	s31 =	spop (v2sf)  }
0x9a: {  	s29 =	spop (v2sf)  }
0x9b: {  	s28 =	spop (v2sf)  }
0x9c: {  	s24 =	spop (v2sf)  }
0x9d: {  	s23 =	spop (v2sf)  }
0x9e: {  	s21 =	spop (v2sf)  }
0x9f: {  	s18 =	spop (v2sf)  }
0xa0: {  	s21 =	sadd.s32 s21, s18  }
0xa1: {  	p0 =	slt.s32 s18, $0x40;
	p1 =	sgt.s32 s21, $0x3F  }
0xa2: {  	s19 =	simm.s32 $0xF0;
	p0 =	por !p0, !p1  }
0xa3: {  	[smem:$0x7F4] =	sst s1;
	p2 =	sgt.s32 s18, $0x3F;
	p3 =	por !p0, !p0  }
0xa4: {  	s19 =	simm.s32 @!p2 $0x0;
	s23 =	sadd.s32 s23, s21;
	s1 =	simm.s32 @!p3 $0x0  }
0xa5: {  	p2 =	slt.s32 s21, $0x40;
	p4 =	sgt.s32 s23, $0x3F;
	s1 =	simm.s32 @p3 $0x1  }
0xa6: {  	p0 =	por !p2, !p4;
	[smem:$0x7F5] =	sst s1  }
0xa7: {  	s19 =	simm.s32 @p3 $0xE0;
	p3 =	por !p0, !p0;
	s1 =	sld [smem:$0x7F4]  }
0xa8: {  	[smem:$0x7F4] =	sst s0;
	s0 =	simm.s32 @!p3 $0x0  }
0xa9: {  	s0 =	simm.s32 @p3 $0x1  }
0xaa: {  	s24 =	sadd.s32 s24, s23;
	[smem:$0x7F6] =	sst s0  }
0xab: {  	p5 =	slt.s32 s23, $0x40;
	p6 =	sgt.s32 s24, $0x3F;
	s0 =	sld [smem:$0x7F4]  }
0xac: {  	p1 =	por !p5, !p6  }
0xad: {  	s19 =	simm.s32 @p3 $0xD0;
	p3 =	por !p1, !p1  }
0xae: {  	[smem:$0x7F4] =	sst s0;
	s0 =	simm.s32 @!p3 $0x0  }
0xaf: {  	s0 =	simm.s32 @p3 $0x1  }
0xb0: {  	s28 =	sadd.s32 s28, s24;
	[smem:$0x7F7] =	sst s0  }
0xb1: {  	p2 =	slt.s32 s24, $0x40;
	p4 =	sgt.s32 s28, $0x3F;
	s0 =	sld [smem:$0x7F4]  }
0xb2: {  	p0 =	por !p2, !p4  }
0xb3: {  	s19 =	simm.s32 @p3 $0xC0;
	p3 =	por !p0, !p0  }
0xb4: {  	[smem:$0x7F4] =	sst s0;
	s0 =	simm.s32 @!p3 $0x0  }
0xb5: {  	s0 =	simm.s32 @p3 $0x1  }
0xb6: {  	s29 =	sadd.s32 s29, s28;
	[smem:$0x7F8] =	sst s0  }
0xb7: {  	p5 =	slt.s32 s28, $0x40;
	p6 =	sgt.s32 s29, $0x3F;
	s0 =	sld [smem:$0x7F4]  }
0xb8: {  	p1 =	por !p5, !p6  }
0xb9: {  	s19 =	simm.s32 @p3 $0xB0;
	p3 =	por !p1, !p1  }
0xba: {  	s31 =	sadd.s32 s31, s29;
	[smem:$0x7F4] =	sst s0;
	s0 =	simm.s32 @!p3 $0x0  }
0xbb: {  	p2 =	slt.s32 s29, $0x40;
	p4 =	sgt.s32 s31, $0x3F;
	s0 =	simm.s32 @p3 $0x1  }
0xbc: {  	p0 =	por !p2, !p4;
	[smem:$0x7F9] =	sst s0  }
0xbd: {  	s19 =	simm.s32 @p3 $0xA0;
	p3 =	por !p0, !p0;
	s0 =	sld [smem:$0x7F4]  }
0xbe: {  	[smem:$0x7F4] =	sst s1;
	s1 =	simm.s32 @!p3 $0x0  }
0xbf: {  	s1 =	simm.s32 @p3 $0x1  }
0xc0: {  	[smem:$0x7FA] =	sst s1;
	s0 =	sadd.s32 s0, s31  }
0xc1: {  	p5 =	slt.s32 s31, $0x40;
	s1 =	sld [smem:$0x7F4];
	p6 =	sgt.s32 s0, $0x3F  }
0xc2: {  	s19 =	simm.s32 @p3 $0x90;
	s6 =	sadd.s32 s6, s0;
	p1 =	por !p5, !p6  }
0xc3: {  	p2 =	slt.s32 s0, $0x40;
	p4 =	sgt.s32 s6, $0x3F;
	p3 =	por !p1, !p1  }
0xc4: {  	s12 =	sadd.s32 s12, s6;
	[smem:$0x7F4] =	sst s1;
	s1 =	simm.s32 @!p3 $0x0  }
0xc5: {  	p5 =	slt.s32 s6, $0x40;
	p0 =	por !p2, !p4;
	s1 =	simm.s32 @p3 $0x1  }
0xc6: {  	p6 =	sgt.s32 s12, $0x3F;
	s3 =	sadd.s32 s3, s12;
	[smem:$0x7FB] =	sst s1  }
0xc7: {  	p2 =	slt.s32 s12, $0x40;
	p1 =	por !p5, !p6;
	s1 =	sld [smem:$0x7F4]  }
0xc8: {  	s19 =	simm.s32 @p3 $0x80;
	p4 =	sgt.s32 s3, $0x3F;
	s30 =	sadd.s32 s30, s3  }
0xc9: {  	p5 =	slt.s32 s3, $0x40;
	p3 =	por !p0, !p0;
	p0 =	por !p2, !p4  }
0xca: {  	p6 =	sgt.s32 s30, $0x3F;
	[smem:$0x7F4] =	sst s1;
	s1 =	simm.s32 @!p3 $0x0  }
0xcb: {  	s26 =	sadd.s32 s26, s30;
	p4 =	slt.s32 s30, $0x40;
	s1 =	simm.s32 @p3 $0x1  }
0xcc: {  	s19 =	simm.s32 @p3 $0x70;
	s25 =	sadd.s32 s25, s26;
	[smem:$0x7FC] =	sst s1  }
0xcd: {  	s22 =	sadd.s32 s22, s25;
	p2 =	slt.s32 s25, $0x40;
	s1 =	sld [smem:$0x7F4]  }
0xce: {  	s20 =	sadd.s32 s20, s22;
	p3 =	por !p1, !p1;
	p1 =	por !p5, !p6  }
0xcf: {  	p5 =	por !p0, !p0;
	p6 =	sgt.s32 s26, $0x3F;
	s19 =	simm.s32 @p3 $0x60  }
0xd0: {  	p0 =	por !p4, !p6;
	[smem:$0x7F4] =	sst s1;
	s1 =	simm.s32 @!p3 $0x0  }
0xd1: {  	p6 =	sgt.s32 s25, $0x3F;
	s1 =	simm.s32 @p3 $0x1;
	p3 =	slt.s32 s26, $0x40  }
0xd2: {  	p4 =	por !p1, !p1;
	[smem:$0x7FD] =	sst s1;
	p1 =	por !p3, !p6  }
0xd3: {  	p3 =	por !p0, !p0;
	p6 =	sgt.s32 s22, $0x3F;
	s1 =	sld [smem:$0x7F4]  }
0xd4: {  	p0 =	por !p2, !p6;
	p6 =	sgt.s32 s20, $0x3F;
	s20 =	sld [smem:$0x7F5]  }
0xd5: {  	_ = 	snop  }
0xd6: {  	p2 =	por !p1, !p1;
	p1 =	slt.s32 s22, $0x40  }
0xd7: {  	p1 =	por !p1, !p6;
	p6 =	seq.s32 s20, $0x1;
	s20 =	sld [smem:$0x7F6]  }
0xd8: {  	_ =	sdelay $0x1  }
0xd9: {  	s19 =	simm.s32 @p5 $0x50;
	s18 =	simm.s32 @!p6 $0x0;
	p6 =	seq.s32 s20, $0x1  }
0xda: {  	s19 =	simm.s32 @p4 $0x40;
	s18 =	smov.u32 @p6 s21;
	s21 =	sld [smem:$0x7F7]  }
0xdb: {  	s19 =	simm.s32 @p3 $0x30  }
0xdc: {  	s19 =	simm.s32 @p2 $0x20;
	p0 =	por !p0, !p0  }
0xdd: {  	s19 =	simm.s32 @p0 $0x10;
	p6 =	seq.s32 s21, $0x1  }
0xde: {  	p1 =	por !p1, !p1;
	s18 =	smov.u32 @p6 s23;
	s23 =	sld [smem:$0x7F8]  }
0xdf: {  	s19 =	simm.s32 @p1 $0x0  }
0xe0: {  	v9 =	vld [tilespmem:s19+$0x7000];
	s21 =	sld [smem:$0x7F9]  }
0xe1: {  	p6 =	seq.s32 s23, $0x1;
	s23 =	sld [smem:$0x7FA];
	_ =	sdelay $0x1  }
0xe2: {  	s18 =	smov.u32 @p6 s24;
	p6 =	seq.s32 s21, $0x1;
	s24 =	sld [smem:$0x7FB]  }
0xe3: {  	s18 =	smov.u32 @p6 s28;
	s28 =	sld [smem:$0x7FC];
	p6 =	seq.s32 s23, $0x1  }
0xe4: {  	v10 =	vperm.xlane v9, v4;
	s18 =	smov.u32 @p6 s29;
	s29 =	sld [smem:$0x7FD]  }
0xe5: {  	p6 =	seq.s32 s24, $0x1  }
0xe6: {  	(xrf0) =	vadd.scan.msk.s32 $0xffff, v10;
	s18 =	smov.u32 @p6 s31;
	p6 =	seq.s32 s28, $0x1  }
0xe7: {  	s18 =	smov.u32 @p6 s0;
	p6 =	seq.s32 s29, $0x1  }
0xe8: {  	s18 =	smov.u32 @p6 s6  }
0xe9: {  	s18 =	smov.u32 @p5 s12  }
0xea: {  	s18 =	smov.u32 @p4 s3  }
0xeb: {  	s18 =	smov.u32 @p3 s30  }
0xec: {  	v10, _, _ =	vpop (xrf0);
	s18 =	smov.u32 @p2 s26  }
0xed: {  	v10 =	vperm.xlane v10, v4;
	s18 =	smov.u32 @p0 s25  }
0xee: {  	s18 =	smov.u32 @p1 s22  }
0xef: {  	v10 =	vadd.s32 s18, v10  }
0xf0: {  	vm0 =	vgt.s32 v10, $0x3F  }
0xf1: {  	v10 =	vsel vm0, $0x1, v0  }
0xf2: {  	(xrf0) =	vadd.scan.msk.s32 $0xffff, v10;
	_ =	sdelay $0x5  }
0xf3: {  	v10, _, _ =	vpop (xrf0)  }
0xf4: {  	(v2sf) =	vpush v10, $0xF;
	_ =	sdelay $0xe  }
0xf5: {  	s30 =	spop (v2sf)  }
0xf6: {  	s21 =	sadd.s32 $0xFFFFFFFF, s30  }
0xf7: {  	s31 =	simm.s32 $0x0;
	s20 =	sadd.s32 s19, s21  }
0xf8: {  	v11 =	vimm.s32 $0x0;
	v13 =	vld.idx.msk [tilespmem:v8+s31+$0x0 ss:$0x1], $0xffff;
	s0 =	simm.s32 $0x40;
	v10 =	vimm.s32 $0x0;
	v12 =	vmov s20  }
.LBB2_10:
0xf9: {  	p0 =	sne.s32 s0, $0x2FC0;
	_ =	sdelay $0x4  }
0xfa: {  	v14 =	vshra.s32 v13, $0x1F  }
0xfb: {  	v14 =	vand.u32 $0x7FFFFFFF, v14  }
0xfc: {  	v13 =	vxor.u32 v13, v14  }
0xfd: {  	v14 =	vshra.s32 v13, $0x18  }
0xfe: {  	v14 =	vadd.s32 $0x80, v14  }
0xff: {  	vm0 =	veq.s32 v14, v12;
	v14 =	vshll.u32 v14, $0x4  }
0x100: {  	v15 =	vsel vm0, $0x1, v0;
	v16 =	vmpcnt.ones.xlane vm0  }
0x101: {  	(xrf0) =	vadd.scan.msk.s32 $0xffff, v15  }
0x102: {  	v11 =	vadd.s32 v11, v16;
	_ =	sdelay $0x3  }
0x103: {  	v15 =	vsel vm0, $0xFFFFFFFF, v0  }
0x104: {  	v15 =	vadd.s32 v15, v10;
	v10 =	vmov v11;
	v16, _, _ =	vpop (xrf0)  }
0x105: {  	v15 =	vadd.s32 v16, v15  }
0x106: {  	v14 =	vor.u32 v1, v14;
	_ =	sdelay $0x1  }
.Ltmp9:
0x107: {  	(pc) =	sbr.rel @p0 .LBB2_10-.Ltmp9, $4  }
0x108: {  	_ = 	snop  }
0x109: {  	[tilespmem:v15+s10+$0x0] =	vst.idx.msk vm0, v13  }
0x10a: {  	s3 =	sshra.s32 s0, $0x2;
	[tilespmem:v14+s9+$0x0] =	vst.idx.msk $0xffff, v0  }
0x10b: {  	s0 =	sadd.s32 $0x40, s0;
	v13 =	vld.idx.msk [tilespmem:v8+s3+$0x0 ss:$0x1], $0xffff  }
0x10c: {  	_ =	sdelay $0x3  }
0x10d: {  	v8 =	vshra.s32 v13, $0x1F  }
0x10e: {  	v8 =	vand.u32 $0x7FFFFFFF, v8  }
0x10f: {  	v8 =	vxor.u32 v13, v8  }
0x110: {  	v13 =	vshra.s32 v8, $0x18  }
0x111: {  	v13 =	vadd.s32 $0x80, v13  }
0x112: {  	v54 =	vmov s21;
	vm0 =	veq.s32 v13, v12  }
0x113: {  	vm1 =	vlt.s32 v54, v1;
	v14 =	vsel vm0, $0x1, v0;
	v55 =	vmpcnt.ones.xlane vm0  }
0x114: {  	v9 =	vnsel vm1, $0x0, v9;
	(xrf0) =	vadd.scan.msk.s32 $0xffff, v14  }
0x115: {  	v11 =	vadd.s32 v11, v55;
	(xrf0) =	vadd.scan.msk.s32 $0xffff, v9  }
0x116: {  	(xrf0) =	vadd.scan.msk.s32 $0xffff, v11;
	_ =	sdelay $0x3  }
0x117: {  	v56, _, _ =	vpop (xrf0)  }
0x118: {  	v57, _, _ =	vpop (xrf0)  }
0x119: {  	(v2sf) =	vpush v57, $0xF;
	v58, _, _ =	vpop (xrf0)  }
0x11a: {  	(v2sf) =	vpush v58, $0xF;
	_ =	sdelay $0xd  }
0x11b: {  	s0 =	spop (v2sf)  }
0x11c: {  	s3 =	spop (v2sf)  }
0x11d: {  	s3 =	sshra.s32 s3, $0x4  }
0x11e: {  	s6 =	sadd.s32 $0x1F, s3  }
0x11f: {  	v59 =	vsel vm0, $0xFFFFFFFF, v0;
	s12 =	sand.u32 $0xF, s6  }
0x120: {  	v10 =	vadd.s32 v59, v10;
	p0 =	slt.s32 s3, $0xFFFFFFE2;
	p1 =	sne.s32 s12, $0x0  }
0x121: {  	v60 =	vshll.u32 v13, $0x4;
	v9 =	vadd.s32 v56, v10;
	s30 =	sshrl.u32 s6, $0x1C;
	p0 =	por !p0, !p1  }
0x122: {  	v61 =	vor.u32 v1, v60;
	s3 =	sadd.s32 s30, s6;
	s6 =	simm.s32 $0x1;
	p0 =	por !p0, !p0  }
0x123: {  	v62 =	vadd.s32 v1, v11;
	s3 =	sshra.s32 s3, $0x4;
	s6 =	simm.s32 @!p0 $0x0  }
0x124: {  	v63 =	vadd.s32 v6, v11;
	s19 =	ssub.s32 s3, s6  }
0x125: {  	v11 =	vadd.s32 v7, v11;
	p0 =	slt.s32 s19, $0x1  }
.Ltmp10:
0x126: {  	[tilespmem:v9+s10+$0x0] =	vst.idx.msk vm0, v8;
	(pc) =	sbr.rel @p0 .LBB2_65-.Ltmp10, $4  }
0x127: {  	[tilespmem:v61+s9+$0x0] =	vst.idx.msk $0xffff, v0  }
0x128: {  	[tilespmem:v62+s10+$0x0] =	vst.idx.msk $0xffff, v5  }
0x129: {  	s31 =	sshll.u32 s20, $0x18;
	[tilespmem:v63+s10+$0x0] =	vst.idx.msk $0xffff, v5;
	s0 =	sadd.s32 s0, s18  }
0x12a: {  	s20 =	sadd.s32 $0x80800000, s31;
	[tilespmem:v11+s10+$0x0] =	vst.idx.msk $0xffff, v5;
	s18 =	ssub.s32 $0x40, s0;
	s0 =	sxor.u32 $0x80000000, s31  }
0x12b: {  	s3 =	simm.s32 $0x7100  }
0x12c: {  	p0 =	sne.s32 s19, $0x1;
	v10 =	vld [tilespmem:s3+$0x0]  }
.Ltmp11:
0x12d: {  	_ = 	snop;
	(pc) =	sbr.rel @!p0 .LBB2_14-.Ltmp11, $3  }
0x12e: {  	_ =	sdelay $0x1  }
0x12f: {  	v9 =	vmov s20  }
0x130: {  	v8 =	vimm.s32 $0x0;
	s6 =	sadd.s32 $0xFFFFFFFF, s19;
	s21 =	simm.s32 $0x7110;
	vm0 =	vge.s32 v10, v9;
	v10 =	vimm.s32 $0x0  }
.LBB2_13:
0x131: {  	v11 =	vld [tilespmem:s21+$0x0];
	p1 =	sne.s32 s6, $0x1;
	s6 =	sadd.s32 $0xFFFFFFFF, s6;
	v12 =	vsel vm0, $0x1, v0  }
.Ltmp12:
0x132: {  	v10 =	vadd.s32 v12, v10;
	(pc) =	sbr.rel @p1 .LBB2_13-.Ltmp12, $2  }
0x133: {  	_ =	sdelay $0x2  }
0x134: {  	s21 =	sadd.s32 $0x10, s21;
	vm0 =	vge.s32 v11, v9  }
.LBB2_14:
0x135: {  	v9 =	vsel vm0, $0x1, v0  }
0x136: {  	v9 =	vadd.s32 v9, v10  }
0x137: {  	(xrf0) =	vadd.scan.msk.s32 $0xffff, v9;
	_ =	sdelay $0x5  }
0x138: {  	v9, _, _ =	vpop (xrf0)  }
0x139: {  	(v2sf) =	vpush v9, $0xF;
	_ =	sdelay $0xe  }
0x13a: {  	v10 =	vld [tilespmem:s3+$0x0];
	s6 =	spop (v2sf)  }
.Ltmp13:
0x13b: {  	p1 =	slt.s32 s6, s18;
	(pc) =	sbr.rel @!p0 .LBB2_16-.Ltmp13, $4  }
0x13c: {  	s20 =	smov.u32 @p1 s0  }
0x13d: {  	s21 =	sor.u32 $0x400000, s20  }
0x13e: {  	v9 =	vmov s21  }
0x13f: {  	s3 =	simm.s32 $0x7110;
	s0 =	sadd.s32 $0xFFFFFFFF, s19;
	vm0 =	vge.s32 v10, v9  }
.LBB2_15:
0x140: {  	v10 =	vld [tilespmem:s3+$0x0];
	p1 =	sne.s32 s0, $0x1;
	s0 =	sadd.s32 $0xFFFFFFFF, s0;
	v11 =	vsel vm0, $0x1, v0  }
.Ltmp14:
0x141: {  	v8 =	vadd.s32 v11, v8;
	(pc) =	sbr.rel @p1 .LBB2_15-.Ltmp14, $2  }
0x142: {  	_ =	sdelay $0x2  }
0x143: {  	s3 =	sadd.s32 $0x10, s3;
	vm0 =	vge.s32 v10, v9  }
.LBB2_16:
0x144: {  	v9 =	vsel vm0, $0x1, v0  }
0x145: {  	v8 =	vadd.s32 v9, v8  }
0x146: {  	(xrf0) =	vadd.scan.msk.s32 $0xffff, v8;
	_ =	sdelay $0x5  }
0x147: {  	v8, _, _ =	vpop (xrf0)  }
0x148: {  	(v2sf) =	vpush v8, $0xF;
	_ =	sdelay $0xd  }
0x149: {  	s0 =	simm.s32 $0x7100  }
0x14a: {  	v10 =	vld [tilespmem:s0+$0x0];
	s3 =	spop (v2sf)  }
.Ltmp15:
0x14b: {  	p1 =	slt.s32 s3, s18;
	(pc) =	sbr.rel @!p0 .LBB2_18-.Ltmp15, $4  }
0x14c: {  	s21 =	smov.u32 @p1 s20  }
0x14d: {  	s20 =	sor.u32 $0x200000, s21  }
0x14e: {  	v9 =	vmov s20  }
0x14f: {  	s6 =	simm.s32 $0x7110;
	v8 =	vimm.s32 $0x0;
	s3 =	sadd.s32 $0xFFFFFFFF, s19;
	vm0 =	vge.s32 v10, v9;
	v10 =	vimm.s32 $0x0  }
.LBB2_17:
0x150: {  	v11 =	vld [tilespmem:s6+$0x0];
	p1 =	sne.s32 s3, $0x1;
	s3 =	sadd.s32 $0xFFFFFFFF, s3;
	v12 =	vsel vm0, $0x1, v0  }
.Ltmp16:
0x151: {  	v10 =	vadd.s32 v12, v10;
	(pc) =	sbr.rel @p1 .LBB2_17-.Ltmp16, $2  }
0x152: {  	_ =	sdelay $0x2  }
0x153: {  	s6 =	sadd.s32 $0x10, s6;
	vm0 =	vge.s32 v11, v9  }
.LBB2_18:
0x154: {  	v9 =	vsel vm0, $0x1, v0  }
0x155: {  	v9 =	vadd.s32 v9, v10  }
0x156: {  	(xrf0) =	vadd.scan.msk.s32 $0xffff, v9;
	_ =	sdelay $0x5  }
0x157: {  	v9, _, _ =	vpop (xrf0)  }
0x158: {  	(v2sf) =	vpush v9, $0xF;
	_ =	sdelay $0xe  }
0x159: {  	v10 =	vld [tilespmem:s0+$0x0];
	s3 =	spop (v2sf)  }
.Ltmp17:
0x15a: {  	p1 =	slt.s32 s3, s18;
	(pc) =	sbr.rel @!p0 .LBB2_20-.Ltmp17, $4  }
0x15b: {  	s20 =	smov.u32 @p1 s21  }
0x15c: {  	s21 =	sadd.s32 $0x100000, s20  }
0x15d: {  	v9 =	vmov s21  }
0x15e: {  	s0 =	sadd.s32 $0xFFFFFFFF, s19;
	s3 =	simm.s32 $0x7110;
	vm0 =	vge.s32 v10, v9  }
.LBB2_19:
0x15f: {  	v10 =	vld [tilespmem:s3+$0x0];
	p1 =	sne.s32 s0, $0x1;
	s0 =	sadd.s32 $0xFFFFFFFF, s0;
	v11 =	vsel vm0, $0x1, v0  }
.Ltmp18:
0x160: {  	v8 =	vadd.s32 v11, v8;
	(pc) =	sbr.rel @p1 .LBB2_19-.Ltmp18, $2  }
0x161: {  	_ =	sdelay $0x2  }
0x162: {  	s3 =	sadd.s32 $0x10, s3;
	vm0 =	vge.s32 v10, v9  }
.LBB2_20:
0x163: {  	v9 =	vsel vm0, $0x1, v0  }
0x164: {  	v8 =	vadd.s32 v9, v8  }
0x165: {  	(xrf0) =	vadd.scan.msk.s32 $0xffff, v8;
	_ =	sdelay $0x5  }
0x166: {  	v8, _, _ =	vpop (xrf0)  }
0x167: {  	(v2sf) =	vpush v8, $0xF;
	_ =	sdelay $0xd  }
0x168: {  	s0 =	simm.s32 $0x7100  }
0x169: {  	v10 =	vld [tilespmem:s0+$0x0];
	s3 =	spop (v2sf)  }
.Ltmp19:
0x16a: {  	p1 =	slt.s32 s3, s18;
	(pc) =	sbr.rel @!p0 .LBB2_22-.Ltmp19, $4  }
0x16b: {  	s21 =	smov.u32 @p1 s20  }
0x16c: {  	s20 =	sadd.s32 $0x80000, s21  }
0x16d: {  	v9 =	vmov s20  }
0x16e: {  	s6 =	simm.s32 $0x7110;
	v8 =	vimm.s32 $0x0;
	s3 =	sadd.s32 $0xFFFFFFFF, s19;
	vm0 =	vge.s32 v10, v9;
	v10 =	vimm.s32 $0x0  }
.LBB2_21:
0x16f: {  	v11 =	vld [tilespmem:s6+$0x0];
	p1 =	sne.s32 s3, $0x1;
	s3 =	sadd.s32 $0xFFFFFFFF, s3;
	v12 =	vsel vm0, $0x1, v0  }
.Ltmp20:
0x170: {  	v10 =	vadd.s32 v12, v10;
	(pc) =	sbr.rel @p1 .LBB2_21-.Ltmp20, $2  }
0x171: {  	_ =	sdelay $0x2  }
0x172: {  	s6 =	sadd.s32 $0x10, s6;
	vm0 =	vge.s32 v11, v9  }
.LBB2_22:
0x173: {  	v9 =	vsel vm0, $0x1, v0  }
0x174: {  	v9 =	vadd.s32 v9, v10  }
0x175: {  	(xrf0) =	vadd.scan.msk.s32 $0xffff, v9;
	_ =	sdelay $0x5  }
0x176: {  	v9, _, _ =	vpop (xrf0)  }
0x177: {  	(v2sf) =	vpush v9, $0xF;
	_ =	sdelay $0xe  }
0x178: {  	v10 =	vld [tilespmem:s0+$0x0];
	s3 =	spop (v2sf)  }
.Ltmp21:
0x179: {  	p1 =	slt.s32 s3, s18;
	(pc) =	sbr.rel @!p0 .LBB2_24-.Ltmp21, $4  }
0x17a: {  	s20 =	smov.u32 @p1 s21  }
0x17b: {  	s21 =	sadd.s32 $0x40000, s20  }
0x17c: {  	v9 =	vmov s21  }
0x17d: {  	s0 =	sadd.s32 $0xFFFFFFFF, s19;
	s3 =	simm.s32 $0x7110;
	vm0 =	vge.s32 v10, v9  }
.LBB2_23:
0x17e: {  	v10 =	vld [tilespmem:s3+$0x0];
	p1 =	sne.s32 s0, $0x1;
	s0 =	sadd.s32 $0xFFFFFFFF, s0;
	v11 =	vsel vm0, $0x1, v0  }
.Ltmp22:
0x17f: {  	v8 =	vadd.s32 v11, v8;
	(pc) =	sbr.rel @p1 .LBB2_23-.Ltmp22, $2  }
0x180: {  	_ =	sdelay $0x2  }
0x181: {  	s3 =	sadd.s32 $0x10, s3;
	vm0 =	vge.s32 v10, v9  }
.LBB2_24:
0x182: {  	v9 =	vsel vm0, $0x1, v0  }
0x183: {  	v8 =	vadd.s32 v9, v8  }
0x184: {  	(xrf0) =	vadd.scan.msk.s32 $0xffff, v8;
	_ =	sdelay $0x5  }
0x185: {  	v8, _, _ =	vpop (xrf0)  }
0x186: {  	(v2sf) =	vpush v8, $0xF;
	_ =	sdelay $0xd  }
0x187: {  	s0 =	simm.s32 $0x7100  }
0x188: {  	v10 =	vld [tilespmem:s0+$0x0];
	s3 =	spop (v2sf)  }
.Ltmp23:
0x189: {  	p1 =	slt.s32 s3, s18;
	(pc) =	sbr.rel @!p0 .LBB2_26-.Ltmp23, $4  }
0x18a: {  	s21 =	smov.u32 @p1 s20  }
0x18b: {  	s20 =	sadd.s32 $0x20000, s21  }
0x18c: {  	v9 =	vmov s20  }
0x18d: {  	s6 =	simm.s32 $0x7110;
	v8 =	vimm.s32 $0x0;
	s3 =	sadd.s32 $0xFFFFFFFF, s19;
	vm0 =	vge.s32 v10, v9;
	v10 =	vimm.s32 $0x0  }
.LBB2_25:
0x18e: {  	v11 =	vld [tilespmem:s6+$0x0];
	p1 =	sne.s32 s3, $0x1;
	s3 =	sadd.s32 $0xFFFFFFFF, s3;
	v12 =	vsel vm0, $0x1, v0  }
.Ltmp24:
0x18f: {  	v10 =	vadd.s32 v12, v10;
	(pc) =	sbr.rel @p1 .LBB2_25-.Ltmp24, $2  }
0x190: {  	_ =	sdelay $0x2  }
0x191: {  	s6 =	sadd.s32 $0x10, s6;
	vm0 =	vge.s32 v11, v9  }
.LBB2_26:
0x192: {  	v9 =	vsel vm0, $0x1, v0  }
0x193: {  	v9 =	vadd.s32 v9, v10  }
0x194: {  	(xrf0) =	vadd.scan.msk.s32 $0xffff, v9;
	_ =	sdelay $0x5  }
0x195: {  	v9, _, _ =	vpop (xrf0)  }
0x196: {  	(v2sf) =	vpush v9, $0xF;
	_ =	sdelay $0xe  }
0x197: {  	v10 =	vld [tilespmem:s0+$0x0];
	s3 =	spop (v2sf)  }
.Ltmp25:
0x198: {  	p1 =	slt.s32 s3, s18;
	(pc) =	sbr.rel @!p0 .LBB2_28-.Ltmp25, $4  }
0x199: {  	s20 =	smov.u32 @p1 s21  }
0x19a: {  	s21 =	sadd.s32 $0x10000, s20  }
0x19b: {  	v9 =	vmov s21  }
0x19c: {  	s0 =	sadd.s32 $0xFFFFFFFF, s19;
	s3 =	simm.s32 $0x7110;
	vm0 =	vge.s32 v10, v9  }
.LBB2_27:
0x19d: {  	v10 =	vld [tilespmem:s3+$0x0];
	p1 =	sne.s32 s0, $0x1;
	s0 =	sadd.s32 $0xFFFFFFFF, s0;
	v11 =	vsel vm0, $0x1, v0  }
.Ltmp26:
0x19e: {  	v8 =	vadd.s32 v11, v8;
	(pc) =	sbr.rel @p1 .LBB2_27-.Ltmp26, $2  }
0x19f: {  	_ =	sdelay $0x2  }
0x1a0: {  	s3 =	sadd.s32 $0x10, s3;
	vm0 =	vge.s32 v10, v9  }
.LBB2_28:
0x1a1: {  	v9 =	vsel vm0, $0x1, v0  }
0x1a2: {  	v8 =	vadd.s32 v9, v8  }
0x1a3: {  	(xrf0) =	vadd.scan.msk.s32 $0xffff, v8;
	_ =	sdelay $0x5  }
0x1a4: {  	v8, _, _ =	vpop (xrf0)  }
0x1a5: {  	(v2sf) =	vpush v8, $0xF;
	_ =	sdelay $0xd  }
0x1a6: {  	s0 =	simm.s32 $0x7100  }
0x1a7: {  	v10 =	vld [tilespmem:s0+$0x0];
	s3 =	spop (v2sf)  }
.Ltmp27:
0x1a8: {  	p1 =	slt.s32 s3, s18;
	(pc) =	sbr.rel @!p0 .LBB2_30-.Ltmp27, $4  }
0x1a9: {  	s21 =	smov.u32 @p1 s20  }
0x1aa: {  	s20 =	sadd.s32 $0x8000, s21  }
0x1ab: {  	v9 =	vmov s20  }
0x1ac: {  	s6 =	simm.s32 $0x7110;
	v8 =	vimm.s32 $0x0;
	s3 =	sadd.s32 $0xFFFFFFFF, s19;
	vm0 =	vge.s32 v10, v9;
	v10 =	vimm.s32 $0x0  }
.LBB2_29:
0x1ad: {  	v11 =	vld [tilespmem:s6+$0x0];
	p1 =	sne.s32 s3, $0x1;
	s3 =	sadd.s32 $0xFFFFFFFF, s3;
	v12 =	vsel vm0, $0x1, v0  }
.Ltmp28:
0x1ae: {  	v10 =	vadd.s32 v12, v10;
	(pc) =	sbr.rel @p1 .LBB2_29-.Ltmp28, $2  }
0x1af: {  	_ =	sdelay $0x2  }
0x1b0: {  	s6 =	sadd.s32 $0x10, s6;
	vm0 =	vge.s32 v11, v9  }
.LBB2_30:
0x1b1: {  	v9 =	vsel vm0, $0x1, v0  }
0x1b2: {  	v9 =	vadd.s32 v9, v10  }
0x1b3: {  	(xrf0) =	vadd.scan.msk.s32 $0xffff, v9;
	_ =	sdelay $0x5  }
0x1b4: {  	v9, _, _ =	vpop (xrf0)  }
0x1b5: {  	(v2sf) =	vpush v9, $0xF;
	_ =	sdelay $0xe  }
0x1b6: {  	v10 =	vld [tilespmem:s0+$0x0];
	s3 =	spop (v2sf)  }
.Ltmp29:
0x1b7: {  	p1 =	slt.s32 s3, s18;
	(pc) =	sbr.rel @!p0 .LBB2_32-.Ltmp29, $4  }
0x1b8: {  	s20 =	smov.u32 @p1 s21  }
0x1b9: {  	s21 =	sadd.s32 $0x4000, s20  }
0x1ba: {  	v9 =	vmov s21  }
0x1bb: {  	s0 =	sadd.s32 $0xFFFFFFFF, s19;
	s3 =	simm.s32 $0x7110;
	vm0 =	vge.s32 v10, v9  }
.LBB2_31:
0x1bc: {  	v10 =	vld [tilespmem:s3+$0x0];
	p1 =	sne.s32 s0, $0x1;
	s0 =	sadd.s32 $0xFFFFFFFF, s0;
	v11 =	vsel vm0, $0x1, v0  }
.Ltmp30:
0x1bd: {  	v8 =	vadd.s32 v11, v8;
	(pc) =	sbr.rel @p1 .LBB2_31-.Ltmp30, $2  }
0x1be: {  	_ =	sdelay $0x2  }
0x1bf: {  	s3 =	sadd.s32 $0x10, s3;
	vm0 =	vge.s32 v10, v9  }
.LBB2_32:
0x1c0: {  	v9 =	vsel vm0, $0x1, v0  }
0x1c1: {  	v8 =	vadd.s32 v9, v8  }
0x1c2: {  	(xrf0) =	vadd.scan.msk.s32 $0xffff, v8;
	_ =	sdelay $0x5  }
0x1c3: {  	v8, _, _ =	vpop (xrf0)  }
0x1c4: {  	(v2sf) =	vpush v8, $0xF;
	_ =	sdelay $0xd  }
0x1c5: {  	s0 =	simm.s32 $0x7100  }
0x1c6: {  	v10 =	vld [tilespmem:s0+$0x0];
	s3 =	spop (v2sf)  }
.Ltmp31:
0x1c7: {  	p1 =	slt.s32 s3, s18;
	(pc) =	sbr.rel @!p0 .LBB2_34-.Ltmp31, $4  }
0x1c8: {  	s21 =	smov.u32 @p1 s20  }
0x1c9: {  	s20 =	sadd.s32 $0x2000, s21  }
0x1ca: {  	v9 =	vmov s20  }
0x1cb: {  	s6 =	simm.s32 $0x7110;
	v8 =	vimm.s32 $0x0;
	s3 =	sadd.s32 $0xFFFFFFFF, s19;
	vm0 =	vge.s32 v10, v9;
	v10 =	vimm.s32 $0x0  }
.LBB2_33:
0x1cc: {  	v11 =	vld [tilespmem:s6+$0x0];
	p1 =	sne.s32 s3, $0x1;
	s3 =	sadd.s32 $0xFFFFFFFF, s3;
	v12 =	vsel vm0, $0x1, v0  }
.Ltmp32:
0x1cd: {  	v10 =	vadd.s32 v12, v10;
	(pc) =	sbr.rel @p1 .LBB2_33-.Ltmp32, $2  }
0x1ce: {  	_ =	sdelay $0x2  }
0x1cf: {  	s6 =	sadd.s32 $0x10, s6;
	vm0 =	vge.s32 v11, v9  }
.LBB2_34:
0x1d0: {  	v9 =	vsel vm0, $0x1, v0  }
0x1d1: {  	v9 =	vadd.s32 v9, v10  }
0x1d2: {  	(xrf0) =	vadd.scan.msk.s32 $0xffff, v9;
	_ =	sdelay $0x5  }
0x1d3: {  	v9, _, _ =	vpop (xrf0)  }
0x1d4: {  	(v2sf) =	vpush v9, $0xF;
	_ =	sdelay $0xe  }
0x1d5: {  	v10 =	vld [tilespmem:s0+$0x0];
	s3 =	spop (v2sf)  }
.Ltmp33:
0x1d6: {  	p1 =	slt.s32 s3, s18;
	(pc) =	sbr.rel @!p0 .LBB2_36-.Ltmp33, $4  }
0x1d7: {  	s20 =	smov.u32 @p1 s21  }
0x1d8: {  	s21 =	sadd.s32 $0x1000, s20  }
0x1d9: {  	v9 =	vmov s21  }
0x1da: {  	s0 =	sadd.s32 $0xFFFFFFFF, s19;
	s3 =	simm.s32 $0x7110;
	vm0 =	vge.s32 v10, v9  }
.LBB2_35:
0x1db: {  	v10 =	vld [tilespmem:s3+$0x0];
	p1 =	sne.s32 s0, $0x1;
	s0 =	sadd.s32 $0xFFFFFFFF, s0;
	v11 =	vsel vm0, $0x1, v0  }
.Ltmp34:
0x1dc: {  	v8 =	vadd.s32 v11, v8;
	(pc) =	sbr.rel @p1 .LBB2_35-.Ltmp34, $2  }
0x1dd: {  	_ =	sdelay $0x2  }
0x1de: {  	s3 =	sadd.s32 $0x10, s3;
	vm0 =	vge.s32 v10, v9  }
.LBB2_36:
0x1df: {  	v9 =	vsel vm0, $0x1, v0  }
0x1e0: {  	v8 =	vadd.s32 v9, v8  }
0x1e1: {  	(xrf0) =	vadd.scan.msk.s32 $0xffff, v8;
	_ =	sdelay $0x5  }
0x1e2: {  	v8, _, _ =	vpop (xrf0)  }
0x1e3: {  	(v2sf) =	vpush v8, $0xF;
	_ =	sdelay $0xd  }
0x1e4: {  	s0 =	simm.s32 $0x7100  }
0x1e5: {  	v10 =	vld [tilespmem:s0+$0x0];
	s3 =	spop (v2sf)  }
.Ltmp35:
0x1e6: {  	p1 =	slt.s32 s3, s18;
	(pc) =	sbr.rel @!p0 .LBB2_38-.Ltmp35, $4  }
0x1e7: {  	s21 =	smov.u32 @p1 s20  }
0x1e8: {  	s20 =	sadd.s32 $0x800, s21  }
0x1e9: {  	v9 =	vmov s20  }
0x1ea: {  	s6 =	simm.s32 $0x7110;
	v8 =	vimm.s32 $0x0;
	s3 =	sadd.s32 $0xFFFFFFFF, s19;
	vm0 =	vge.s32 v10, v9;
	v10 =	vimm.s32 $0x0  }
.LBB2_37:
0x1eb: {  	v11 =	vld [tilespmem:s6+$0x0];
	p1 =	sne.s32 s3, $0x1;
	s3 =	sadd.s32 $0xFFFFFFFF, s3;
	v12 =	vsel vm0, $0x1, v0  }
.Ltmp36:
0x1ec: {  	v10 =	vadd.s32 v12, v10;
	(pc) =	sbr.rel @p1 .LBB2_37-.Ltmp36, $2  }
0x1ed: {  	_ =	sdelay $0x2  }
0x1ee: {  	s6 =	sadd.s32 $0x10, s6;
	vm0 =	vge.s32 v11, v9  }
.LBB2_38:
0x1ef: {  	v9 =	vsel vm0, $0x1, v0  }
0x1f0: {  	v9 =	vadd.s32 v9, v10  }
0x1f1: {  	(xrf0) =	vadd.scan.msk.s32 $0xffff, v9;
	_ =	sdelay $0x5  }
0x1f2: {  	v9, _, _ =	vpop (xrf0)  }
0x1f3: {  	(v2sf) =	vpush v9, $0xF;
	_ =	sdelay $0xe  }
0x1f4: {  	v10 =	vld [tilespmem:s0+$0x0];
	s3 =	spop (v2sf)  }
.Ltmp37:
0x1f5: {  	p1 =	slt.s32 s3, s18;
	(pc) =	sbr.rel @!p0 .LBB2_40-.Ltmp37, $4  }
0x1f6: {  	s20 =	smov.u32 @p1 s21  }
0x1f7: {  	s21 =	sadd.s32 $0x400, s20  }
0x1f8: {  	v9 =	vmov s21  }
0x1f9: {  	s0 =	sadd.s32 $0xFFFFFFFF, s19;
	s3 =	simm.s32 $0x7110;
	vm0 =	vge.s32 v10, v9  }
.LBB2_39:
0x1fa: {  	v10 =	vld [tilespmem:s3+$0x0];
	p1 =	sne.s32 s0, $0x1;
	s0 =	sadd.s32 $0xFFFFFFFF, s0;
	v11 =	vsel vm0, $0x1, v0  }
.Ltmp38:
0x1fb: {  	v8 =	vadd.s32 v11, v8;
	(pc) =	sbr.rel @p1 .LBB2_39-.Ltmp38, $2  }
0x1fc: {  	_ =	sdelay $0x2  }
0x1fd: {  	s3 =	sadd.s32 $0x10, s3;
	vm0 =	vge.s32 v10, v9  }
.LBB2_40:
0x1fe: {  	v9 =	vsel vm0, $0x1, v0  }
0x1ff: {  	v8 =	vadd.s32 v9, v8  }
0x200: {  	(xrf0) =	vadd.scan.msk.s32 $0xffff, v8;
	_ =	sdelay $0x5  }
0x201: {  	v8, _, _ =	vpop (xrf0)  }
0x202: {  	(v2sf) =	vpush v8, $0xF;
	_ =	sdelay $0xd  }
0x203: {  	s0 =	simm.s32 $0x7100  }
0x204: {  	v10 =	vld [tilespmem:s0+$0x0];
	s3 =	spop (v2sf)  }
.Ltmp39:
0x205: {  	p1 =	slt.s32 s3, s18;
	(pc) =	sbr.rel @!p0 .LBB2_42-.Ltmp39, $4  }
0x206: {  	s21 =	smov.u32 @p1 s20  }
0x207: {  	s20 =	sadd.s32 $0x200, s21  }
0x208: {  	v9 =	vmov s20  }
0x209: {  	s6 =	simm.s32 $0x7110;
	v8 =	vimm.s32 $0x0;
	s3 =	sadd.s32 $0xFFFFFFFF, s19;
	vm0 =	vge.s32 v10, v9;
	v10 =	vimm.s32 $0x0  }
.LBB2_41:
0x20a: {  	v11 =	vld [tilespmem:s6+$0x0];
	p1 =	sne.s32 s3, $0x1;
	s3 =	sadd.s32 $0xFFFFFFFF, s3;
	v12 =	vsel vm0, $0x1, v0  }
.Ltmp40:
0x20b: {  	v10 =	vadd.s32 v12, v10;
	(pc) =	sbr.rel @p1 .LBB2_41-.Ltmp40, $2  }
0x20c: {  	_ =	sdelay $0x2  }
0x20d: {  	s6 =	sadd.s32 $0x10, s6;
	vm0 =	vge.s32 v11, v9  }
.LBB2_42:
0x20e: {  	v9 =	vsel vm0, $0x1, v0  }
0x20f: {  	v9 =	vadd.s32 v9, v10  }
0x210: {  	(xrf0) =	vadd.scan.msk.s32 $0xffff, v9;
	_ =	sdelay $0x5  }
0x211: {  	v9, _, _ =	vpop (xrf0)  }
0x212: {  	(v2sf) =	vpush v9, $0xF;
	_ =	sdelay $0xe  }
0x213: {  	v10 =	vld [tilespmem:s0+$0x0];
	s3 =	spop (v2sf)  }
.Ltmp41:
0x214: {  	p1 =	slt.s32 s3, s18;
	(pc) =	sbr.rel @!p0 .LBB2_44-.Ltmp41, $4  }
0x215: {  	s20 =	smov.u32 @p1 s21  }
0x216: {  	s21 =	sadd.s32 $0x100, s20  }
0x217: {  	v9 =	vmov s21  }
0x218: {  	s0 =	sadd.s32 $0xFFFFFFFF, s19;
	s3 =	simm.s32 $0x7110;
	vm0 =	vge.s32 v10, v9  }
.LBB2_43:
0x219: {  	v10 =	vld [tilespmem:s3+$0x0];
	p1 =	sne.s32 s0, $0x1;
	s0 =	sadd.s32 $0xFFFFFFFF, s0;
	v11 =	vsel vm0, $0x1, v0  }
.Ltmp42:
0x21a: {  	v8 =	vadd.s32 v11, v8;
	(pc) =	sbr.rel @p1 .LBB2_43-.Ltmp42, $2  }
0x21b: {  	_ =	sdelay $0x2  }
0x21c: {  	s3 =	sadd.s32 $0x10, s3;
	vm0 =	vge.s32 v10, v9  }
.LBB2_44:
0x21d: {  	v9 =	vsel vm0, $0x1, v0  }
0x21e: {  	v8 =	vadd.s32 v9, v8  }
0x21f: {  	(xrf0) =	vadd.scan.msk.s32 $0xffff, v8;
	_ =	sdelay $0x5  }
0x220: {  	v8, _, _ =	vpop (xrf0)  }
0x221: {  	(v2sf) =	vpush v8, $0xF;
	_ =	sdelay $0xd  }
0x222: {  	s0 =	simm.s32 $0x7100  }
0x223: {  	v10 =	vld [tilespmem:s0+$0x0];
	s3 =	spop (v2sf)  }
.Ltmp43:
0x224: {  	p1 =	slt.s32 s3, s18;
	(pc) =	sbr.rel @!p0 .LBB2_46-.Ltmp43, $4  }
0x225: {  	s21 =	smov.u32 @p1 s20  }
0x226: {  	s20 =	sadd.s32 $0x80, s21  }
0x227: {  	v9 =	vmov s20  }
0x228: {  	s6 =	simm.s32 $0x7110;
	v8 =	vimm.s32 $0x0;
	s3 =	sadd.s32 $0xFFFFFFFF, s19;
	vm0 =	vge.s32 v10, v9;
	v10 =	vimm.s32 $0x0  }
.LBB2_45:
0x229: {  	v11 =	vld [tilespmem:s6+$0x0];
	p1 =	sne.s32 s3, $0x1;
	s3 =	sadd.s32 $0xFFFFFFFF, s3;
	v12 =	vsel vm0, $0x1, v0  }
.Ltmp44:
0x22a: {  	v10 =	vadd.s32 v12, v10;
	(pc) =	sbr.rel @p1 .LBB2_45-.Ltmp44, $2  }
0x22b: {  	_ =	sdelay $0x2  }
0x22c: {  	s6 =	sadd.s32 $0x10, s6;
	vm0 =	vge.s32 v11, v9  }
.LBB2_46:
0x22d: {  	v9 =	vsel vm0, $0x1, v0  }
0x22e: {  	v9 =	vadd.s32 v9, v10  }
0x22f: {  	(xrf0) =	vadd.scan.msk.s32 $0xffff, v9;
	_ =	sdelay $0x5  }
0x230: {  	v9, _, _ =	vpop (xrf0)  }
0x231: {  	(v2sf) =	vpush v9, $0xF;
	_ =	sdelay $0xe  }
0x232: {  	v10 =	vld [tilespmem:s0+$0x0];
	s3 =	spop (v2sf)  }
.Ltmp45:
0x233: {  	p1 =	slt.s32 s3, s18;
	(pc) =	sbr.rel @!p0 .LBB2_48-.Ltmp45, $4  }
0x234: {  	s20 =	smov.u32 @p1 s21  }
0x235: {  	s21 =	sadd.s32 $0x40, s20  }
0x236: {  	v9 =	vmov s21  }
0x237: {  	s0 =	sadd.s32 $0xFFFFFFFF, s19;
	s3 =	simm.s32 $0x7110;
	vm0 =	vge.s32 v10, v9  }
.LBB2_47:
0x238: {  	v10 =	vld [tilespmem:s3+$0x0];
	p1 =	sne.s32 s0, $0x1;
	s0 =	sadd.s32 $0xFFFFFFFF, s0;
	v11 =	vsel vm0, $0x1, v0  }
.Ltmp46:
0x239: {  	v8 =	vadd.s32 v11, v8;
	(pc) =	sbr.rel @p1 .LBB2_47-.Ltmp46, $2  }
0x23a: {  	_ =	sdelay $0x2  }
0x23b: {  	s3 =	sadd.s32 $0x10, s3;
	vm0 =	vge.s32 v10, v9  }
.LBB2_48:
0x23c: {  	v9 =	vsel vm0, $0x1, v0  }
0x23d: {  	v8 =	vadd.s32 v9, v8  }
0x23e: {  	(xrf0) =	vadd.scan.msk.s32 $0xffff, v8;
	_ =	sdelay $0x5  }
0x23f: {  	v8, _, _ =	vpop (xrf0)  }
0x240: {  	(v2sf) =	vpush v8, $0xF;
	_ =	sdelay $0xd  }
0x241: {  	s0 =	simm.s32 $0x7100  }
0x242: {  	v10 =	vld [tilespmem:s0+$0x0];
	s3 =	spop (v2sf)  }
.Ltmp47:
0x243: {  	p1 =	slt.s32 s3, s18;
	(pc) =	sbr.rel @!p0 .LBB2_50-.Ltmp47, $4  }
0x244: {  	s21 =	smov.u32 @p1 s20  }
0x245: {  	s20 =	sadd.s32 $0x20, s21  }
0x246: {  	v9 =	vmov s20  }
0x247: {  	s6 =	simm.s32 $0x7110;
	v8 =	vimm.s32 $0x0;
	s3 =	sadd.s32 $0xFFFFFFFF, s19;
	vm0 =	vge.s32 v10, v9;
	v10 =	vimm.s32 $0x0  }
.LBB2_49:
0x248: {  	v11 =	vld [tilespmem:s6+$0x0];
	p1 =	sne.s32 s3, $0x1;
	s3 =	sadd.s32 $0xFFFFFFFF, s3;
	v12 =	vsel vm0, $0x1, v0  }
.Ltmp48:
0x249: {  	v10 =	vadd.s32 v12, v10;
	(pc) =	sbr.rel @p1 .LBB2_49-.Ltmp48, $2  }
0x24a: {  	_ =	sdelay $0x2  }
0x24b: {  	s6 =	sadd.s32 $0x10, s6;
	vm0 =	vge.s32 v11, v9  }
.LBB2_50:
0x24c: {  	v9 =	vsel vm0, $0x1, v0  }
0x24d: {  	v9 =	vadd.s32 v9, v10  }
0x24e: {  	(xrf0) =	vadd.scan.msk.s32 $0xffff, v9;
	_ =	sdelay $0x5  }
0x24f: {  	v9, _, _ =	vpop (xrf0)  }
0x250: {  	(v2sf) =	vpush v9, $0xF;
	_ =	sdelay $0xe  }
0x251: {  	v10 =	vld [tilespmem:s0+$0x0];
	s3 =	spop (v2sf)  }
.Ltmp49:
0x252: {  	p1 =	slt.s32 s3, s18;
	(pc) =	sbr.rel @!p0 .LBB2_52-.Ltmp49, $4  }
0x253: {  	s20 =	smov.u32 @p1 s21  }
0x254: {  	s21 =	sadd.s32 $0x10, s20  }
0x255: {  	v9 =	vmov s21  }
0x256: {  	s0 =	sadd.s32 $0xFFFFFFFF, s19;
	s3 =	simm.s32 $0x7110;
	vm0 =	vge.s32 v10, v9  }
.LBB2_51:
0x257: {  	v10 =	vld [tilespmem:s3+$0x0];
	p1 =	sne.s32 s0, $0x1;
	s0 =	sadd.s32 $0xFFFFFFFF, s0;
	v11 =	vsel vm0, $0x1, v0  }
.Ltmp50:
0x258: {  	v8 =	vadd.s32 v11, v8;
	(pc) =	sbr.rel @p1 .LBB2_51-.Ltmp50, $2  }
0x259: {  	_ =	sdelay $0x2  }
0x25a: {  	s3 =	sadd.s32 $0x10, s3;
	vm0 =	vge.s32 v10, v9  }
.LBB2_52:
0x25b: {  	v9 =	vsel vm0, $0x1, v0  }
0x25c: {  	v8 =	vadd.s32 v9, v8  }
0x25d: {  	(xrf0) =	vadd.scan.msk.s32 $0xffff, v8;
	_ =	sdelay $0x5  }
0x25e: {  	v8, _, _ =	vpop (xrf0)  }
0x25f: {  	(v2sf) =	vpush v8, $0xF;
	_ =	sdelay $0xd  }
0x260: {  	s0 =	simm.s32 $0x7100  }
0x261: {  	v10 =	vld [tilespmem:s0+$0x0];
	s3 =	spop (v2sf)  }
.Ltmp51:
0x262: {  	p1 =	slt.s32 s3, s18;
	(pc) =	sbr.rel @!p0 .LBB2_54-.Ltmp51, $4  }
0x263: {  	s21 =	smov.u32 @p1 s20  }
0x264: {  	s20 =	sadd.s32 $0x8, s21  }
0x265: {  	v9 =	vmov s20  }
0x266: {  	s6 =	simm.s32 $0x7110;
	v8 =	vimm.s32 $0x0;
	s3 =	sadd.s32 $0xFFFFFFFF, s19;
	vm0 =	vge.s32 v10, v9;
	v10 =	vimm.s32 $0x0  }
.LBB2_53:
0x267: {  	v11 =	vld [tilespmem:s6+$0x0];
	p1 =	sne.s32 s3, $0x1;
	s3 =	sadd.s32 $0xFFFFFFFF, s3;
	v12 =	vsel vm0, $0x1, v0  }
.Ltmp52:
0x268: {  	v10 =	vadd.s32 v12, v10;
	(pc) =	sbr.rel @p1 .LBB2_53-.Ltmp52, $2  }
0x269: {  	_ =	sdelay $0x2  }
0x26a: {  	s6 =	sadd.s32 $0x10, s6;
	vm0 =	vge.s32 v11, v9  }
.LBB2_54:
0x26b: {  	v9 =	vsel vm0, $0x1, v0  }
0x26c: {  	v9 =	vadd.s32 v9, v10  }
0x26d: {  	(xrf0) =	vadd.scan.msk.s32 $0xffff, v9;
	_ =	sdelay $0x5  }
0x26e: {  	v9, _, _ =	vpop (xrf0)  }
0x26f: {  	(v2sf) =	vpush v9, $0xF;
	_ =	sdelay $0xe  }
0x270: {  	v10 =	vld [tilespmem:s0+$0x0];
	s3 =	spop (v2sf)  }
.Ltmp53:
0x271: {  	p1 =	slt.s32 s3, s18;
	(pc) =	sbr.rel @!p0 .LBB2_56-.Ltmp53, $4  }
0x272: {  	s20 =	smov.u32 @p1 s21  }
0x273: {  	s21 =	sadd.s32 $0x4, s20  }
0x274: {  	v9 =	vmov s21  }
0x275: {  	s0 =	sadd.s32 $0xFFFFFFFF, s19;
	s3 =	simm.s32 $0x7110;
	vm0 =	vge.s32 v10, v9  }
.LBB2_55:
0x276: {  	v10 =	vld [tilespmem:s3+$0x0];
	p1 =	sne.s32 s0, $0x1;
	s0 =	sadd.s32 $0xFFFFFFFF, s0;
	v11 =	vsel vm0, $0x1, v0  }
.Ltmp54:
0x277: {  	v8 =	vadd.s32 v11, v8;
	(pc) =	sbr.rel @p1 .LBB2_55-.Ltmp54, $2  }
0x278: {  	_ =	sdelay $0x2  }
0x279: {  	s3 =	sadd.s32 $0x10, s3;
	vm0 =	vge.s32 v10, v9  }
.LBB2_56:
0x27a: {  	v9 =	vsel vm0, $0x1, v0  }
0x27b: {  	v8 =	vadd.s32 v9, v8  }
0x27c: {  	(xrf0) =	vadd.scan.msk.s32 $0xffff, v8;
	_ =	sdelay $0x5  }
0x27d: {  	v8, _, _ =	vpop (xrf0)  }
0x27e: {  	(v2sf) =	vpush v8, $0xF;
	_ =	sdelay $0xe  }
0x27f: {  	s3 =	spop (v2sf)  }
0x280: {  	s0 =	simm.s32 $0x7100;
	p1 =	slt.s32 s3, s18  }
0x281: {  	v10 =	vld [tilespmem:s0+$0x0];
	s21 =	smov.u32 @p1 s20;
	p1 =	seq.s32 s19, $0x1  }
.Ltmp55:
0x282: {  	_ = 	snop;
	(pc) =	sbr.rel @p1 .LBB2_58-.Ltmp55, $4  }
0x283: {  	_ = 	snop  }
0x284: {  	s20 =	sadd.s32 $0x2, s21  }
0x285: {  	v9 =	vmov s20  }
0x286: {  	s0 =	sadd.s32 $0xFFFFFFFF, s19;
	v8 =	vimm.s32 $0x0;
	s3 =	simm.s32 $0x7110;
	vm0 =	vge.s32 v10, v9  }
.LBB2_57:
0x287: {  	v10 =	vld [tilespmem:s3+$0x0];
	p1 =	seq.s32 s0, $0x1;
	s0 =	sadd.s32 $0xFFFFFFFF, s0;
	v11 =	vsel vm0, $0x1, v0  }
.Ltmp56:
0x288: {  	v8 =	vadd.s32 v11, v8;
	(pc) =	sbr.rel @!p1 .LBB2_57-.Ltmp56, $2  }
0x289: {  	_ =	sdelay $0x2  }
0x28a: {  	s3 =	sadd.s32 $0x10, s3;
	vm0 =	vge.s32 v10, v9  }
.LBB2_58:
0x28b: {  	v9 =	vsel vm0, $0x1, v0  }
0x28c: {  	v8 =	vadd.s32 v9, v8  }
0x28d: {  	(xrf0) =	vadd.scan.msk.s32 $0xffff, v8;
	_ =	sdelay $0x5  }
0x28e: {  	v8, _, _ =	vpop (xrf0)  }
0x28f: {  	(v2sf) =	vpush v8, $0xF;
	_ =	sdelay $0xd  }
0x290: {  	s0 =	simm.s32 $0x7100  }
0x291: {  	v10 =	vld [tilespmem:s0+$0x0];
	s3 =	spop (v2sf)  }
.Ltmp57:
0x292: {  	p1 =	slt.s32 s3, s18;
	(pc) =	sbr.rel @!p0 .LBB2_60-.Ltmp57, $4  }
0x293: {  	s20 =	smov.u32 @p1 s21  }
0x294: {  	s0 =	sadd.s32 $0x1, s20  }
0x295: {  	v9 =	vmov s0  }
0x296: {  	s6 =	simm.s32 $0x7110;
	v8 =	vimm.s32 $0x0;
	s3 =	sadd.s32 $0xFFFFFFFF, s19;
	vm0 =	vge.s32 v10, v9  }
.LBB2_59:
0x297: {  	v10 =	vld [tilespmem:s6+$0x0];
	p0 =	sne.s32 s3, $0x1;
	s3 =	sadd.s32 $0xFFFFFFFF, s3;
	v11 =	vsel vm0, $0x1, v0  }
.Ltmp58:
0x298: {  	v8 =	vadd.s32 v11, v8;
	(pc) =	sbr.rel @p0 .LBB2_59-.Ltmp58, $2  }
0x299: {  	_ =	sdelay $0x2  }
0x29a: {  	s6 =	sadd.s32 $0x10, s6;
	vm0 =	vge.s32 v10, v9  }
.LBB2_60:
.Ltmp59:
0x29b: {  	(pc) =	sbr.rel .LBB2_61-.Ltmp59, $3  }
0x29c: {  	_ =	sdelay $0x1  }
0x29d: {  	v9 =	vsel vm0, $0x1, v0  }
0x29e: {  	v8 =	vadd.s32 v9, v8  }
.LBB2_64:
0x29f: {  	_ =	sfence.sel $0x180000  }
0x2a0: {  	[bflag:$0x0] =	sbarrier.arrive $0xFFFF  }
0x2a1: {  	_ =	strace $0x9000004A  }
0x2a2: {  	s0 =	stileid.u32;
	[bflag:$0x2] =	sbarrier.arrive $0xFFFF  }
0x2a3: {  	p0 =	sne.s32 s0, $0x0;
	s0 =	rddreg [dreg:$0x2]  }
0x2a4: {  	s0 =	sadd.s32 @!p0 $0x100000, s0  }
0x2a5: {  	[sflag:s0] =	ssyncadd.tile.s32 @!p0 $0x1;
	_ =	shalt  }
.Lfunc_end2:
_tile_overlayer_lowered:
.L_overlay_start_2:
0x2a6: {  	(tag) =	ssettag $0x2  }
0x2a7: {  	s0 =	rddreg [dreg:$0x0];
	s2 =	stileid.u32  }
0x2a8: {  	s1 =	rddreg [dreg:$0x1];
	p0 =	sne.s32 s2, $0x0  }
0x2a9: {  	s3 =	rddreg [dreg:$0x2];
	[bflag:$0x3] =	sbarrier.arrive $0xFFFF;
	s2 =	simm.s32 @!p0 $0x1C01  }
0x2aa: {  	[timem:s3], [sflag:s2] =	dma.local @!p0 [hbm:s0], s1  }
0x2ab: {  	s0 =	simm.s32 @!p0 $0x1  }
0x2ac: {  	_ =	swait.ge @!p0 [sflag:s0], s1  }
0x2ad: {  	s1 =	ssub.s32 @!p0 $0x0, s1;
	[sflag:s0] =	ssyncset.done @!p0 $0x0  }
0x2ae: {  	[sflag:s0] =	ssyncadd.s32 @!p0 s1  }
0x2af: {  	[bflag:$0x3] =	sbarrier.arrive $0xFFFF  }
0x2b0: {  	_ =	shalt  }

// kernel: sparse-core-data-format-call.cloned.1.call-start
scs
called_computation_lowered:
.L_overlay_start_0:
0x0: {  	s2 =	sld [smem:$0x3FD9]  }
0x1: {  	s3 =	sld [smem:$0x3FFE];
	_ =	sdelay $0x1  }
0x2: {  	s1 =	srdreg.scid  }
0x3: {  	s0 =	sand.u32 $0x1, s1  }
0x4: {  	s15 =	sshll.u32 s0, $0xA;
	s2 =	sadd.s32 s3, s2  }
0x5: {  	s2 =	sadd.s32 s2, s15  }
0x6: {  	[smem:$0x3FC3] =	sst s2  }
0x7: {  	_ = 	snop  }
0x8: {  	s2 =	sld [smem:$0x3FD0];
	_ =	sdelay $0x2  }
0x9: {  	s16 =	simm.s32 $0xA;
	s4 =	simm.s32 $0x10  }
0xa: {  	[smem:s4], [sflag:s16] =	dma.local [hbm:s2], $0x1  }
0xb: {  	_ =	swait.eq [sflag:s16], $0x1  }
0xc: {  	[sflag:s16] =	ssyncset.done $0x0  }
0xd: {  	[sflag:s16] =	ssyncadd.s32 $0xFFFFFFFF  }
0xe: {  	s17 =	sld [smem:$0x11];
	(tm) =	ssettm $0x1  }
0xf: {  	s18 =	sld [smem:$0x3FFB];
	_ =	sdelay $0x3  }
0x10: {  	_ =	strace s18  }
0x11: {  	s3 =	sld [smem:$0x3FFC];
	_ =	sdelay $0x3  }
0x12: {  	_ =	strace s3  }
0x13: {  	s3 =	sld [smem:$0x3FFD];
	_ =	sdelay $0x3  }
0x14: {  	_ =	strace s3  }
0x15: {  	_ =	strace $0x8FFFFFFF  }
0x16: {  	s19 =	sld [smem:$0x3FDB];
	_ =	sdelay $0x1  }
0x17: {  	s20 =	simm.s32 $_scs_section_size  }
0x18: {  	s5 =	simm.s32 $_size__tile_overlayer_lowered;
	s6 =	simm.s32 $_tile_overlayer_lowered  }
0x19: {  	s23 =	simm.s32 $0x1BFF;
	s22 =	sshll.u32 s6, $0x1;
	s3 =	sadd.s32 s20, s19  }
0x1a: {  	s7 =	simm.s32 $0x0;
	s21 =	sshll.u32 s5, $0x1;
	s5 =	sadd.s32 s22, s3  }
0x1b: {  	[timem:s7], [sflag:s23] =	dma.local [hbm:s5], s21  }
0x1c: {  	_ =	swait.ge [sflag:s23], s21  }
0x1d: {  	s4 =	ssub.s32 $0x0, s21;
	[sflag:s23] =	ssyncset.done $0x0  }
0x1e: {  	[sflag:s23] =	ssyncadd.s32 s4;
	_ =	sdelay $0x1  }
0x1f: {  	s24 =	simm.s32 $0x1B8B  }
0x20: {  	_ =	swait.ge [sflag:s24], $0x1  }
0x21: {  	[sflag:s24] =	ssyncset.done $0x0  }
0x22: {  	s26 =	simm.s32 $0x1B8E;
	s25 =	sld [smem:$0x3FFE];
	[sflag:s24] =	ssyncadd.s32 $0xFFFFFFFF  }
0x23: {  	s27 =	simm.s32 $execute0_lowered;
	[smem:$0x3FD2] =	sst s26  }
0x24: {  	s5 =	sshll.u32 s27, $0x1;
	_ =	strace $0x80000046;
	[dreg:$0x1] =	wrdreg $0xFFFFFFFF  }
0x25: {  	s28 =	simm.s32 $_size_execute0_lowered;
	s3 =	sadd.s32 s3, s5;
	[dreg:$0x0] =	wrdreg $0x0  }
0x26: {  	s5 =	sshll.u32 s28, $0x1;
	[dreg:$0x2] =	wrdreg s3  }
0x27: {  	[dreg:$0x3] =	wrdreg s5  }
0x28: {  	[dreg:$0x4] =	wrdreg $0xC0  }
0x29: {  	_ =	task [dreg:s7], $0x5FFFF  }
0x2a: {  	[dreg:$0x1] =	wrdreg $0xFFFFFFFF  }
0x2b: {  	[dreg:$0x0] =	wrdreg $0x60  }
0x2c: {  	[dreg:$0x2] =	wrdreg s17  }
0x2d: {  	[dreg:$0x3] =	wrdreg s25  }
0x2e: {  	[dreg:$0x4] =	wrdreg $0x9  }
0x2f: {  	_ =	task.clear_ibuf [dreg:s7], $0x5FFFF;
	_ =	strace $0x90000046  }
0x30: {  	s29 =	simm.s32 $0x9;
	_ =	strace $0x80000048  }
0x31: {  	_ =	swait.ge [sflag:s29], $0x1  }
0x32: {  	[sflag:s29] =	ssyncadd.s32 $0xFFFFFFFF  }
0x33: {  	_ =	strace $0x90000048  }
0x34: {  	_ =	sfence  }
0x35: {  	s30 =	sld [smem:$0x0];
	_ =	sdelay $0x2  }
0x36: {  	s31 =	sshll.u32 s1, $0xD;
	s1 =	sshrl.u32 s1, $0x2  }
0x37: {  	s3 =	sand.u32 $0x4000, s31;
	s1 =	sadd.s32 s1, s30  }
0x38: {  	s0 =	sor.u32 s3, s0;
	s1 =	sshll.u32 s1, $0x11  }
0x39: {  	s0 =	sor.u32 s1, s0  }
0x3a: {  	s0 =	sadd.s32 $0x8F2B, s0  }
0x3b: {  	[sflag:s0] =	ssyncadd.remote.s32 $0x1  }
0x3c: {  	_ =	sfence.sel $0xFFFF  }
0x3d: {  	[dreg:$0x0] =	wrdreg $0xFFFFFFFF;
	(pc) =	sbr.abs _section_cstart, $3  }
0x3e: {  	[dreg:$0x1] =	wrdreg $0xFFFFFFFF  }
0x3f: {  	_ =	task.clear_ibuf [dreg:s7], $0x2FFFF;
	_ =	strace $0x9FFFFFFF  }
0x40: {  	(tm) =	ssettm $0x7FFFFFFF  }
0x41: {  	_ =	shalt  }
tec
execute0_lowered:
.L_overlay_start_1:
0x0: {  	(tag) =	ssettag $0x1  }
0x1: {  	s0 =	srdreg.scid  }
0x2: {  	s1 =	sshll.u32 s0, $0x4  }
0x3: {  	s0 =	stileid.u32;
	s1 =	sand.u32 $0x10, s1  }
0x4: {  	s3 =	rddreg [dreg:$0x0];
	s1 =	sor.u32 s0, s1  }
0x5: {  	s6 =	rddreg [dreg:$0x1];
	s7 =	simm.s32 $0x2;
	s2 =	sshll.u32 s1, $0x1  }
0x6: {  	s14 =	simm.s32 $0x0;
	s8 =	simm.s32 $0x400;
	s1 =	ssub.s32 $0x1000, s2  }
0x7: {  	s9 =	simm.s32 $0xC00;
	s10 =	simm.s32 $0x0;
	s4 =	sand.u32 $0x3E, s1  }
0x8: {  	s15 =	simm.s32 $0x0;
	p0 =	sne.s32 s4, $0x0;
	s4 =	simm.s32 $0x1  }
.Ltmp0:
0x9: {  	s5 =	sshrl.u32 s1, $0x6;
	s4 =	simm.s32 @!p0 $0x0;
	(pc) =	sbr.rel .LBB1_1-.Ltmp0, $4  }
0xa: {  	s11 =	simm.s32 $0x0;
	s1 =	rddreg [dreg:$0x2];
	s5 =	sadd.s32 s4, s5  }
0xb: {  	_ =	strace $0x80000047;
	s4 =	simm.s32 $0x1;
	s5 =	smul.u32 $0x3, s5  }
0xc: {  	s13 =	simm.s32 $0x0;
	s6 =	sadd.s32 $0x1200, s6;
	[sflag:s4] =	ssyncpa.u1 $0x0  }
0xd: {  	s12 =	smov.u32 s2;
	[sflag:s7] =	ssyncpa.u1 $0x0;
	s7 =	sadd.s32 $0x1, s5  }
.LBB1_9:
0xe: {  	s16 =	sadd.s32 $0x8, s11  }
0xf: {  	s14 =	sadd.s32 $0x40, s12;
	s18 =	smov.u32 s12;
	p1 =	sgt.s32 s16, $0x17  }
0x10: {  	s18 =	smov.u32 @p1 s14  }
0x11: {  	s16 =	simm.s32 @p1 $0x0;
	p1 =	sgt.s32 s18, $0xFFF  }
0x12: {  	s18 =	smov.u32 @p1 s2;
	p1 =	sne.s32 s13, s7  }
.Ltmp1:
0x13: {  	p0 =	slt.u32 s13, $0x2;
	(pc) =	sbr.rel @!p1 .LBB1_10-.Ltmp1, $4  }
0x14: {  	s17 =	simm.s32 @!p0 $0x2  }
0x15: {  	s15 =	smov.u32 s12;
	s10 =	sadd.s32 $0x4000, s10;
	_ =	swait.ge @!p0 [sflag:s17], $0x4000  }
0x16: {  	s14 =	smov.u32 s11;
	[sflag:s17] =	ssyncset.done @!p0 $0x0;
	s11 =	smov.u32 s16  }
0x17: {  	s13 =	sadd.s32 $0x1, s13;
	[sflag:s17] =	ssyncadd.s32 @!p0 $0xFFFFC000;
	s12 =	smov.u32 s18  }
.LBB1_1:
0x18: {  	p0 =	sge.u32 s13, s5  }
0x19: {  	s17 =	smul.u32 @!p0 $0xC00, s12  }
0x1a: {  	s31 =	sadd.s32 $0xFFFFFFFF, s13;
	s16 =	sxor.u32 @!p0 $0xFFFFFFFF, s13;
	s18 =	sshll.u32 @!p0 s11, $0x7  }
0x1b: {  	s19 =	simm.s32 @!p0 $0x6000;
	s16 =	sshll.u32 @!p0 s16, $0xE;
	s17 =	sadd.s32 @!p0 s3, s17  }
0x1c: {  	s16 =	sand.u32 @!p0 $0x4000, s16;
	s17 =	sadd.s32 @!p0 s18, s17;
	s18 =	simm.s32 @!p0 $0x2000  }
0x1d: {  	[tilespmem:s16], [sflag:$0x1] =	stream.strided.gather @!p0 [hbm4b:s17+s18], $0x4000, s19, s18, $0x38;
	[tilespmem:$0x10000] =	vst v63  }
0x1e: {  	p0 =	sge.u32 s31, s5  }
.Ltmp2:
0x1f: {  	_ = 	snop;
	(pc) =	sbr.rel @p0 .LBB1_9-.Ltmp2, $1  }
0x20: {  	_ =	sdelay $0x3  }
0x21: {  	s16 =	sshll.u32 s10, $0x2  }
0x22: {  	_ =	swait.ge [sflag:s4], $0x4000;
	s17 =	sshll.u32 s13, $0xE;
	s19 =	simm.s32 $0x0  }
0x23: {  	p1 =	por $0x1, $0x1;
	s16 =	sand.u32 $0x10000, s16;
	[sflag:s4] =	ssyncset.done $0x0  }
0x24: {  	s17 =	sand.u32 $0x4000, s17;
	s18 =	sshrl.u32 s16, $0x2;
	[sflag:s4] =	ssyncadd.s32 $0xFFFFC000  }
0x25: {  	s16 =	sor.u32 $0x8000, s17;
	s17 =	sadd.s32 $0x8040, s18;
	s18 =	sadd.s32 $0x40, s18  }
.LBB1_3:
0x26: {  	s19 =	sshll.u32 s19, $0x2  }
0x27: {  	p0 =	por p1, p1;
	s20 =	sshra.s32 s19, $0x2  }
0x28: {  	s21 =	simm.s32 $0x0;
	s19 =	sadd.s32 s20, s17;
	s20 =	sadd.s32 s20, s18  }
.LBB1_4:
0x29: {  	v0 =	vmov s20;
	_ =	sdelay $0x3  }
0x2a: {  	s23 =	simm.s32 $0x0  }
0x2b: {  	v6 =	vld.idx.msk [tilespmem:v0+s23+$0x30 ss:$0x1], $0xffff  }
0x2c: {  	v7 =	vld.idx.msk [tilespmem:v0+s23+$0xFFFFFFC0 ss:$0x1], $0xffff  }
0x2d: {  	v5 =	vld.idx.msk [tilespmem:v0+s23+$0xFFFFFFD0 ss:$0x1], $0xffff  }
0x2e: {  	v4 =	vld.idx.msk [tilespmem:v0+s23+$0xFFFFFFE0 ss:$0x1], $0xffff  }
0x2f: {  	v3 =	vld.idx.msk [tilespmem:v0+s23+$0xFFFFFFF0 ss:$0x1], $0xffff  }
0x30: {  	v1 =	vld.idx.msk [tilespmem:v0+s23+$0x0 ss:$0x1], $0xffff  }
0x31: {  	v2 =	vld.idx.msk [tilespmem:v0+s23+$0x10 ss:$0x1], $0xffff;
	[tilespmem:s19+$0x30] =	vst v6  }
0x32: {  	s22 =	simm.s32 $0x80;
	s24 =	simm.s32 $0x400;
	[tilespmem:s19+$0xFFFFFFC0] =	vst v7;
	v6 =	vld.idx.msk [tilespmem:v0+s23+$0x20 ss:$0x1], $0xffff;
	s23 =	smov.u32 s19  }
.LBB1_5:
0x33: {  	p1 =	sne.s32 s24, $0xE00;
	v7 =	vld.idx.msk [tilespmem:v0+s22+$0x30 ss:$0x1], $0xffff;
	[tilespmem:s23+$0xFFFFFFD0] =	vst v5  }
0x34: {  	v8 =	vld.idx.msk [tilespmem:v0+s22+$0xFFFFFFC0 ss:$0x1], $0xffff;
	[tilespmem:s23+$0xFFFFFFE0] =	vst v4  }
0x35: {  	v5 =	vld.idx.msk [tilespmem:v0+s22+$0xFFFFFFD0 ss:$0x1], $0xffff;
	[tilespmem:s23+$0xFFFFFFF0] =	vst v3  }
.Ltmp3:
0x36: {  	v4 =	vld.idx.msk [tilespmem:v0+s22+$0xFFFFFFE0 ss:$0x1], $0xffff;
	[tilespmem:s23+$0x0] =	vst v1;
	(pc) =	sbr.rel @p1 .LBB1_5-.Ltmp3, $4  }
0x37: {  	v3 =	vld.idx.msk [tilespmem:v0+s22+$0xFFFFFFF0 ss:$0x1], $0xffff;
	[tilespmem:s23+$0x10] =	vst v2  }
0x38: {  	v1 =	vld.idx.msk [tilespmem:v0+s22+$0x0 ss:$0x1], $0xffff;
	[tilespmem:s23+$0x20] =	vst v6;
	s23 =	sadd.s32 $0x400, s23  }
0x39: {  	v2 =	vld.idx.msk [tilespmem:v0+s22+$0x10 ss:$0x1], $0xffff;
	[tilespmem:s23+$0x30] =	vst v7  }
0x3a: {  	[tilespmem:s23+$0xFFFFFFC0] =	vst v8;
	v6 =	vld.idx.msk [tilespmem:v0+s22+$0x20 ss:$0x1], $0xffff;
	s22 =	sshra.s32 s24, $0x2;
	s24 =	sadd.s32 $0x200, s24  }
0x3b: {  	_ =	sdelay $0x2  }
0x3c: {  	[tilespmem:s23+$0xFFFFFFD0] =	vst v5  }
0x3d: {  	v56 =	vld.idx.msk [tilespmem:v0+s22+$0x30 ss:$0x1], $0xffff;
	[tilespmem:s23+$0xFFFFFFE0] =	vst v4  }
0x3e: {  	v57 =	vld.idx.msk [tilespmem:v0+s22+$0xFFFFFFC0 ss:$0x1], $0xffff;
	[tilespmem:s23+$0xFFFFFFF0] =	vst v3  }
0x3f: {  	v58 =	vld.idx.msk [tilespmem:v0+s22+$0xFFFFFFD0 ss:$0x1], $0xffff;
	[tilespmem:s23+$0x0] =	vst v1  }
0x40: {  	v59 =	vld.idx.msk [tilespmem:v0+s22+$0xFFFFFFE0 ss:$0x1], $0xffff;
	[tilespmem:s23+$0x10] =	vst v2  }
0x41: {  	v60 =	vld.idx.msk [tilespmem:v0+s22+$0xFFFFFFF0 ss:$0x1], $0xffff;
	s31 =	sadd.s32 $0x400, s23;
	[tilespmem:s23+$0x20] =	vst v6  }
0x42: {  	v61 =	vld.idx.msk [tilespmem:v0+s22+$0x0 ss:$0x1], $0xffff;
	[tilespmem:s31+$0x30] =	vst v56  }
0x43: {  	v62 =	vld.idx.msk [tilespmem:v0+s22+$0x10 ss:$0x1], $0xffff;
	s21 =	sadd.s32 $0x1, s21;
	[tilespmem:s31+$0xFFFFFFC0] =	vst v57  }
0x44: {  	v63 =	vld.idx.msk [tilespmem:v0+s22+$0x20 ss:$0x1], $0xffff;
	p1 =	sne.s32 s21, $0x8;
	[tilespmem:s31+$0xFFFFFFD0] =	vst v58  }
.Ltmp4:
0x45: {  	[tilespmem:s31+$0xFFFFFFE0] =	vst v59;
	(pc) =	sbr.rel @p1 .LBB1_4-.Ltmp4, $4  }
0x46: {  	[tilespmem:s31+$0xFFFFFFF0] =	vst v60  }
0x47: {  	[tilespmem:s31+$0x0] =	vst v61  }
0x48: {  	[tilespmem:s31+$0x10] =	vst v62  }
0x49: {  	s19 =	sadd.s32 $0x80, s19;
	s20 =	sadd.s32 $0x400, s20;
	[tilespmem:s31+$0x20] =	vst v63  }
.Ltmp5:
0x4a: {  	(pc) =	sbr.rel @p0 .LBB1_3-.Ltmp5, $2  }
0x4b: {  	_ =	sdelay $0x2  }
0x4c: {  	s19 =	simm.s32 $0x2000;
	p1 =	por $0x0, $0x0  }
0x4d: {  	s14 =	sand.u32 $0x1FFFFFF, s14  }
0x4e: {  	s17 =	smulhi.u32 $0xAAAAAAB, s14  }
0x4f: {  	s15 =	smul.u32 $0xC00, s15  }
0x50: {  	s17 =	smul.u32 $0x18, s17  }
.Ltmp6:
0x51: {  	_ = 	snop;
	(pc) =	sbr.rel .LBB1_9-.Ltmp6, $4  }
0x52: {  	s14 =	ssub.s32 s14, s17  }
0x53: {  	s15 =	sadd.s32 s6, s15;
	s14 =	sshll.u32 s14, $0x4  }
0x54: {  	s14 =	sadd.s32 s14, s15  }
0x55: {  	[hbm4b:s14+s8] =	stream.strided.scatter [tilespmem:s16], [sflag:$0x2], $0x4000, s9, s8, $0x38;
	[tilespmem:$0x10000] =	vst v63  }
.LBB1_10:
0x56: {  	_ =	sfence.sel $0x180000  }
0x57: {  	s2 =	simm.s32 $0x1;
	[bflag:$0x0] =	sbarrier.arrive $0xFFFF  }
0x58: {  	s31 =	simm.s32 $0x2;
	[sflag:s2] =	ssyncpa.u1 $0x1  }
0x59: {  	[sflag:s31] =	ssyncpa.u1 $0x1  }
0x5a: {  	p0 =	sne.s32 s0, $0x0;
	_ =	strace $0x90000047  }
0x5b: {  	s0 =	sadd.s32 @!p0 $0x100000, s1;
	[bflag:$0x2] =	sbarrier.arrive $0xFFFF  }
0x5c: {  	[sflag:s0] =	ssyncadd.tile.s32 @!p0 $0x1;
	_ =	shalt  }
.Lfunc_end1:
_tile_overlayer_lowered:
.L_overlay_start_2:
0x5d: {  	(tag) =	ssettag $0x2  }
0x5e: {  	s0 =	rddreg [dreg:$0x0];
	s2 =	stileid.u32  }
0x5f: {  	s1 =	rddreg [dreg:$0x1];
	p0 =	sne.s32 s2, $0x0  }
0x60: {  	s3 =	rddreg [dreg:$0x2];
	[bflag:$0x3] =	sbarrier.arrive $0xFFFF;
	s2 =	simm.s32 @!p0 $0x1C01  }
0x61: {  	[timem:s3], [sflag:s2] =	dma.local @!p0 [hbm:s0], s1  }
0x62: {  	s0 =	simm.s32 @!p0 $0x1  }
0x63: {  	_ =	swait.ge @!p0 [sflag:s0], s1  }
0x64: {  	s1 =	ssub.s32 @!p0 $0x0, s1;
	[sflag:s0] =	ssyncset.done @!p0 $0x0  }
0x65: {  	[sflag:s0] =	ssyncadd.s32 @!p0 s1  }
0x66: {  	[bflag:$0x3] =	sbarrier.arrive $0xFFFF  }
0x67: {  	_ =	shalt  }

</sc_bundles>
